<compile_context>
chip_gen: v7x
topology: tpu7x:2x2x1
jax: 0.10.2.dev20260603
libtpu: 0.0.44.dev20260713+nightly
codegen_flags: <defaults>
</compile_context>

<pallas_src>
import functools

import jax
import jax.numpy as jnp
from jax import lax
from jax.experimental import pallas as pl
from jax.experimental.pallas import tpu as pltpu
from jax.experimental.pallas import tpu_sc as plsc

L_CTX = 2048
D = 128
B = 4
N = B * L_CTX
NC = 2
NS = 16
NW = NC * NS
P_W = L_CTX // NW
W_CH = 32
N_WCH = P_W // W_CH
N_PLAIN = 2
LANES = 16

_POS = 0
_ACC = P_W

_SEM_IDX = 0
_SEM_POS = B
_SEM_G = B + 1
_SEM_W = _SEM_G + B
_N_SEM = _SEM_W + B * N_WCH

_mesh = plsc.VectorSubcoreMesh(core_axis_name="c", subcore_axis_name="s")


@functools.partial(
    pl.kernel,
    out_type=jax.ShapeDtypeStruct((N, D), jnp.float32),
    mesh=_mesh,
    scratch_types=[
        pltpu.VMEM((B, P_W), jnp.int32),
        pltpu.VMEM(((B + 1) * P_W, D), jnp.float32),
        pltpu.SemaphoreType.DMA((_N_SEM,)),
    ],
)
def _emb_lookup(idx_hbm, tok_hbm, pos_hbm, out_hbm, idx_v, fbuf, sem):
    c = lax.axis_index("c")
    s = lax.axis_index("s")
    wid = s * NC + c
    p0 = wid * P_W

    idx_cps = [
        pltpu.async_copy(
            idx_hbm.at[b, pl.ds(p0, P_W)], idx_v.at[b], sem.at[_SEM_IDX + b]
        )
        for b in range(B)
    ]
    pos_cp = pltpu.async_copy(
        pos_hbm.at[pl.ds(p0, P_W)], fbuf.at[pl.ds(_POS, P_W)], sem.at[_SEM_POS]
    )

    gathers = []
    for b in range(N_PLAIN):
        idx_cps[b].wait()
        gathers.append(
            pltpu.async_copy(
                tok_hbm.at[idx_v.at[b]],
                fbuf.at[pl.ds(_ACC + b * P_W, P_W)],
                sem.at[_SEM_G + b],
            )
        )
    pos_cp.wait()

    for b in range(N_PLAIN, B):
        def rep_body(j, carry, _b=b):
            for k in range(D // LANES):
                sl = pl.ds(k * LANES, LANES)
                fbuf[_ACC + _b * P_W + j, sl] = fbuf[_POS + j, sl]
            return carry

        lax.fori_loop(0, P_W, rep_body, 0)
        idx_cps[b].wait()
        gathers.append(
            pltpu.async_copy(
                tok_hbm.at[idx_v.at[b]],
                fbuf.at[pl.ds(_ACC + b * P_W, P_W)],
                sem.at[_SEM_G + b],
                add=True,
            )
        )

    writes = []

    def emit_writes(b):
        for h in range(N_WCH):
            writes.append(
                pltpu.async_copy(
                    fbuf.at[pl.ds(_ACC + b * P_W + h * W_CH, W_CH)],
                    out_hbm.at[pl.ds(b * L_CTX + p0 + h * W_CH, W_CH)],
                    sem.at[_SEM_W + b * N_WCH + h],
                )
            )

    for b in range(N_PLAIN):
        gathers[b].wait()

        def add_body(j, carry, _b=b):
            for k in range(D // LANES):
                sl = pl.ds(k * LANES, LANES)
                r = _ACC + _b * P_W + j
                fbuf[r, sl] = fbuf[r, sl] + fbuf[_POS + j, sl]
            return carry

        lax.fori_loop(0, P_W, add_body, 0)
        emit_writes(b)

    for b in range(N_PLAIN, B):
        gathers[b].wait()
        emit_writes(b)

    for w in writes:
        w.wait()


def kernel(inputs, token_table, position_table):
    out = _emb_lookup(inputs.astype(jnp.int32), token_table, position_table)
    return out.reshape(B, L_CTX, D)

# --- scband reference (transcript-rebuilt; emitter-appended) ---
"""Pipeline reference for scband-text-model-embedding-7327214207581 (READ-ONLY COPY).

The authoritative reference and input builder live on the scoring server;
editing this copy changes nothing except your own understanding.
"""

import jax, jax.numpy as jnp
import numpy as np

VOCAB_SIZE = 1000000
CONTEXT_LENGTH = 2048
EMBEDDING_DIM = 128
BATCH = 4


def setup_inputs(seed: int = 0) -> dict:
    key = jax.random.key(seed)
    k1, k2, k3 = jax.random.split(key, 3)
    inputs = jax.random.randint(k1, (BATCH, CONTEXT_LENGTH), 0, VOCAB_SIZE, dtype=jnp.int64 if jax.config.jax_enable_x64 else jnp.int32)
    token_table = jax.random.normal(k2, (VOCAB_SIZE, EMBEDDING_DIM), dtype=jnp.float32) * 0.02
    position_table = jax.random.normal(k3, (CONTEXT_LENGTH, EMBEDDING_DIM), dtype=jnp.float32) * 0.02
    return {"inputs": inputs, "token_table": token_table, "position_table": position_table}


def reference(inputs, token_table, position_table):
    # token embedding lookup: gather rows of the embedding table
    token_embeddings = jnp.take(token_table, inputs, axis=0)  # (B, L, D)
    # positional embedding: arange over full context length, then broadcast to batch
    position_ids = jnp.arange(CONTEXT_LENGTH, dtype=jnp.int32)
    position_embeddings = jnp.take(position_table, position_ids, axis=0)  # (L, D)
    position_embeddings = jnp.expand_dims(position_embeddings, 0)  # (1, L, D)
    batch_size = inputs.shape[0]
    position_embeddings = jnp.tile(position_embeddings, (batch_size, 1, 1))  # (B, L, D)
    return token_embeddings + position_embeddings

if __name__ == "__main__":
    import jax
    _d = setup_inputs()
    print(jax.jit(kernel)(*tuple(_d.values())))

</pallas_src>

<mosaic_0001>
#map = affine_map<(d0, d1) -> (0, 0)>
module attributes {stable_mosaic.version = 14 : i64} {
  func.func @_emb_lookup(%arg0: i32, %arg1: i32, %arg2: memref<4x2048xi32, #tpu.memory_space<hbm>>, %arg3: memref<1000000x128xf32, #tpu.memory_space<hbm>>, %arg4: memref<2048x128xf32, #tpu.memory_space<hbm>>, %arg5: memref<8192x128xf32, #tpu.memory_space<hbm>>, %arg6: memref<4x64xi32, #tpu.memory_space<vmem>>, %arg7: memref<320x128xf32, #tpu.memory_space<vmem>>, %arg8: memref<17x!tpu.dma_semaphore, #tpu.memory_space<semaphore_mem>>) attributes {dimension_semantics = [#tpu.dimension_semantics<core_parallel>, #tpu.dimension_semantics<subcore_parallel>], iteration_bounds = array<i64: 2, 16>, scalar_prefetch = 0 : i64, scratch_operands = 3 : i64, tpu.core_type = #tpu.core_type<sc_vector_subcore>, window_params = [{transform_indices = #map}, {transform_indices = #map}, {transform_indices = #map}, {transform_indices = #map}]} {
    %mul3A = arith.constant 2 : i32
    %mul3A_0 = arith.muli %arg1, %mul3A : i32
    %add3A = arith.addi %mul3A_0, %arg0 : i32
    %mul3A_1 = arith.constant 64 : i32
    %mul3A_2 = arith.muli %add3A, %mul3A_1 : i32
    %dma_start3A = arith.constant 0 : i32
    %dma_start3A_3 = arith.constant 0 : i32
    %dma_start3A_4 = arith.constant 0 : i32
    %dma_start3A_5 = arith.constant 0 : i32
    %dma_start3A_6 = tpu.memref_slice %arg6[%dma_start3A_3, %dma_start3A_5] : memref<4x64xi32, #tpu.memory_space<vmem>> -> memref<1x64xi32, #tpu.memory_space<vmem>>
    %dma_start3A_7 = tpu.memref_squeeze %dma_start3A_6 : memref<1x64xi32, #tpu.memory_space<vmem>> -> memref<64xi32, #tpu.memory_space<vmem>>
    %dma_start3A_8 = tpu.memref_slice %arg2[%dma_start3A, %mul3A_2] : memref<4x2048xi32, #tpu.memory_space<hbm>> -> memref<1x64xi32, #tpu.memory_space<hbm>>
    %dma_start3A_9 = tpu.memref_squeeze %dma_start3A_8 : memref<1x64xi32, #tpu.memory_space<hbm>> -> memref<64xi32, #tpu.memory_space<hbm>>
    %dma_start3A_10 = tpu.memref_slice %arg8[%dma_start3A_4] : memref<17x!tpu.dma_semaphore, #tpu.memory_space<semaphore_mem>> -> memref<1x!tpu.dma_semaphore, #tpu.memory_space<semaphore_mem>>
    %dma_start3A_11 = tpu.memref_squeeze %dma_start3A_10 : memref<1x!tpu.dma_semaphore, #tpu.memory_space<semaphore_mem>> -> memref<!tpu.dma_semaphore, #tpu.memory_space<semaphore_mem>>
    %dma_start3A_12 = arith.constant 0 : i32
    %dma_start3A_13 = tpu.memref_slice %arg6[%dma_start3A_3, %dma_start3A_12] : memref<4x64xi32, #tpu.memory_space<vmem>> -> memref<1x64xi32, #tpu.memory_space<vmem>>
    %dma_start3A_14 = tpu.memref_squeeze %dma_start3A_13 : memref<1x64xi32, #tpu.memory_space<vmem>> -> memref<64xi32, #tpu.memory_space<vmem>>
    %dma_start3A_15 = tpu.memref_slice %arg2[%dma_start3A, %mul3A_2] : memref<4x2048xi32, #tpu.memory_space<hbm>> -> memref<1x64xi32, #tpu.memory_space<hbm>>
    %dma_start3A_16 = tpu.memref_squeeze %dma_start3A_15 : memref<1x64xi32, #tpu.memory_space<hbm>> -> memref<64xi32, #tpu.memory_space<hbm>>
    tpu.enqueue_dma source(%dma_start3A_16 : memref<64xi32, #tpu.memory_space<hbm>>) target(%dma_start3A_14 : memref<64xi32, #tpu.memory_space<vmem>>) target_semaphore(%dma_start3A_11 : memref<!tpu.dma_semaphore, #tpu.memory_space<semaphore_mem>>)
    %dma_start3A_17 = arith.constant 1 : i32
    %dma_start3A_18 = arith.constant 1 : i32
    %dma_start3A_19 = arith.constant 1 : i32
    %dma_start3A_20 = arith.constant 0 : i32
    %dma_start3A_21 = tpu.memref_slice %arg6[%dma_start3A_18, %dma_start3A_20] : memref<4x64xi32, #tpu.memory_space<vmem>> -> memref<1x64xi32, #tpu.memory_space<vmem>>
    %dma_start3A_22 = tpu.memref_squeeze %dma_start3A_21 : memref<1x64xi32, #tpu.memory_space<vmem>> -> memref<64xi32, #tpu.memory_space<vmem>>
    %dma_start3A_23 = tpu.memref_slice %arg2[%dma_start3A_17, %mul3A_2] : memref<4x2048xi32, #tpu.memory_space<hbm>> -> memref<1x64xi32, #tpu.memory_space<hbm>>
    %dma_start3A_24 = tpu.memref_squeeze %dma_start3A_23 : memref<1x64xi32, #tpu.memory_space<hbm>> -> memref<64xi32, #tpu.memory_space<hbm>>
    %dma_start3A_25 = tpu.memref_slice %arg8[%dma_start3A_19] : memref<17x!tpu.dma_semaphore, #tpu.memory_space<semaphore_mem>> -> memref<1x!tpu.dma_semaphore, #tpu.memory_space<semaphore_mem>>
    %dma_start3A_26 = tpu.memref_squeeze %dma_start3A_25 : memref<1x!tpu.dma_semaphore, #tpu.memory_space<semaphore_mem>> -> memref<!tpu.dma_semaphore, #tpu.memory_space<semaphore_mem>>
    %dma_start3A_27 = arith.constant 0 : i32
    %dma_start3A_28 = tpu.memref_slice %arg6[%dma_start3A_18, %dma_start3A_27] : memref<4x64xi32, #tpu.memory_space<vmem>> -> memref<1x64xi32, #tpu.memory_space<vmem>>
    %dma_start3A_29 = tpu.memref_squeeze %dma_start3A_28 : memref<1x64xi32, #tpu.memory_space<vmem>> -> memref<64xi32, #tpu.memory_space<vmem>>
    %dma_start3A_30 = tpu.memref_slice %arg2[%dma_start3A_17, %mul3A_2] : memref<4x2048xi32, #tpu.memory_space<hbm>> -> memref<1x64xi32, #tpu.memory_space<hbm>>
    %dma_start3A_31 = tpu.memref_squeeze %dma_start3A_30 : memref<1x64xi32, #tpu.memory_space<hbm>> -> memref<64xi32, #tpu.memory_space<hbm>>
    tpu.enqueue_dma source(%dma_start3A_31 : memref<64xi32, #tpu.memory_space<hbm>>) target(%dma_start3A_29 : memref<64xi32, #tpu.memory_space<vmem>>) target_semaphore(%dma_start3A_26 : memref<!tpu.dma_semaphore, #tpu.memory_space<semaphore_mem>>)
    %dma_start3A_32 = arith.constant 2 : i32
    %dma_start3A_33 = arith.constant 2 : i32
    %dma_start3A_34 = arith.constant 2 : i32
    %dma_start3A_35 = arith.constant 0 : i32
    %dma_start3A_36 = tpu.memref_slice %arg6[%dma_start3A_33, %dma_start3A_35] : memref<4x64xi32, #tpu.memory_space<vmem>> -> memref<1x64xi32, #tpu.memory_space<vmem>>
    %dma_start3A_37 = tpu.memref_squeeze %dma_start3A_36 : memref<1x64xi32, #tpu.memory_space<vmem>> -> memref<64xi32, #tpu.memory_space<vmem>>
    %dma_start3A_38 = tpu.memref_slice %arg2[%dma_start3A_32, %mul3A_2] : memref<4x2048xi32, #tpu.memory_space<hbm>> -> memref<1x64xi32, #tpu.memory_space<hbm>>
    %dma_start3A_39 = tpu.memref_squeeze %dma_start3A_38 : memref<1x64xi32, #tpu.memory_space<hbm>> -> memref<64xi32, #tpu.memory_space<hbm>>
    %dma_start3A_40 = tpu.memref_slice %arg8[%dma_start3A_34] : memref<17x!tpu.dma_semaphore, #tpu.memory_space<semaphore_mem>> -> memref<1x!tpu.dma_semaphore, #tpu.memory_space<semaphore_mem>>
    %dma_start3A_41 = tpu.memref_squeeze %dma_start3A_40 : memref<1x!tpu.dma_semaphore, #tpu.memory_space<semaphore_mem>> -> memref<!tpu.dma_semaphore, #tpu.memory_space<semaphore_mem>>
    %dma_start3A_42 = arith.constant 0 : i32
    %dma_start3A_43 = tpu.memref_slice %arg6[%dma_start3A_33, %dma_start3A_42] : memref<4x64xi32, #tpu.memory_space<vmem>> -> memref<1x64xi32, #tpu.memory_space<vmem>>
    %dma_start3A_44 = tpu.memref_squeeze %dma_start3A_43 : memref<1x64xi32, #tpu.memory_space<vmem>> -> memref<64xi32, #tpu.memory_space<vmem>>
    %dma_start3A_45 = tpu.memref_slice %arg2[%dma_start3A_32, %mul3A_2] : memref<4x2048xi32, #tpu.memory_space<hbm>> -> memref<1x64xi32, #tpu.memory_space<hbm>>
    %dma_start3A_46 = tpu.memref_squeeze %dma_start3A_45 : memref<1x64xi32, #tpu.memory_space<hbm>> -> memref<64xi32, #tpu.memory_space<hbm>>
    tpu.enqueue_dma source(%dma_start3A_46 : memref<64xi32, #tpu.memory_space<hbm>>) target(%dma_start3A_44 : memref<64xi32, #tpu.memory_space<vmem>>) target_semaphore(%dma_start3A_41 : memref<!tpu.dma_semaphore, #tpu.memory_space<semaphore_mem>>)
    %dma_start3A_47 = arith.constant 3 : i32
    %dma_start3A_48 = arith.constant 3 : i32
    %dma_start3A_49 = arith.constant 3 : i32
    %dma_start3A_50 = arith.constant 0 : i32
    %dma_start3A_51 = tpu.memref_slice %arg6[%dma_start3A_48, %dma_start3A_50] : memref<4x64xi32, #tpu.memory_space<vmem>> -> memref<1x64xi32, #tpu.memory_space<vmem>>
    %dma_start3A_52 = tpu.memref_squeeze %dma_start3A_51 : memref<1x64xi32, #tpu.memory_space<vmem>> -> memref<64xi32, #tpu.memory_space<vmem>>
    %dma_start3A_53 = tpu.memref_slice %arg2[%dma_start3A_47, %mul3A_2] : memref<4x2048xi32, #tpu.memory_space<hbm>> -> memref<1x64xi32, #tpu.memory_space<hbm>>
    %dma_start3A_54 = tpu.memref_squeeze %dma_start3A_53 : memref<1x64xi32, #tpu.memory_space<hbm>> -> memref<64xi32, #tpu.memory_space<hbm>>
    %dma_start3A_55 = tpu.memref_slice %arg8[%dma_start3A_49] : memref<17x!tpu.dma_semaphore, #tpu.memory_space<semaphore_mem>> -> memref<1x!tpu.dma_semaphore, #tpu.memory_space<semaphore_mem>>
    %dma_start3A_56 = tpu.memref_squeeze %dma_start3A_55 : memref<1x!tpu.dma_semaphore, #tpu.memory_space<semaphore_mem>> -> memref<!tpu.dma_semaphore, #tpu.memory_space<semaphore_mem>>
    %dma_start3A_57 = arith.constant 0 : i32
    %dma_start3A_58 = tpu.memref_slice %arg6[%dma_start3A_48, %dma_start3A_57] : memref<4x64xi32, #tpu.memory_space<vmem>> -> memref<1x64xi32, #tpu.memory_space<vmem>>
    %dma_start3A_59 = tpu.memref_squeeze %dma_start3A_58 : memref<1x64xi32, #tpu.memory_space<vmem>> -> memref<64xi32, #tpu.memory_space<vmem>>
    %dma_start3A_60 = tpu.memref_slice %arg2[%dma_start3A_47, %mul3A_2] : memref<4x2048xi32, #tpu.memory_space<hbm>> -> memref<1x64xi32, #tpu.memory_space<hbm>>
    %dma_start3A_61 = tpu.memref_squeeze %dma_start3A_60 : memref<1x64xi32, #tpu.memory_space<hbm>> -> memref<64xi32, #tpu.memory_space<hbm>>
    tpu.enqueue_dma source(%dma_start3A_61 : memref<64xi32, #tpu.memory_space<hbm>>) target(%dma_start3A_59 : memref<64xi32, #tpu.memory_space<vmem>>) target_semaphore(%dma_start3A_56 : memref<!tpu.dma_semaphore, #tpu.memory_space<semaphore_mem>>)
    %dma_start3A_62 = arith.constant 4 : i32
    %dma_start3A_63 = arith.constant 0 : i32
    %dma_start3A_64 = arith.constant 0 : i32
    %dma_start3A_65 = tpu.memref_slice %arg7[%dma_start3A_63, %dma_start3A_64] : memref<320x128xf32, #tpu.memory_space<vmem>> -> memref<64x128xf32, #tpu.memory_space<vmem>>
    %dma_start3A_66 = arith.constant 0 : i32
    %dma_start3A_67 = tpu.memref_slice %arg4[%mul3A_2, %dma_start3A_66] : memref<2048x128xf32, #tpu.memory_space<hbm>> -> memref<64x128xf32, #tpu.memory_space<hbm>>
    %dma_start3A_68 = tpu.memref_slice %arg8[%dma_start3A_62] : memref<17x!tpu.dma_semaphore, #tpu.memory_space<semaphore_mem>> -> memref<1x!tpu.dma_semaphore, #tpu.memory_space<semaphore_mem>>
    %dma_start3A_69 = tpu.memref_squeeze %dma_start3A_68 : memref<1x!tpu.dma_semaphore, #tpu.memory_space<semaphore_mem>> -> memref<!tpu.dma_semaphore, #tpu.memory_space<semaphore_mem>>
    %dma_start3A_70 = arith.constant 0 : i32
    %dma_start3A_71 = arith.constant 0 : i32
    %dma_start3A_72 = tpu.memref_slice %arg7[%dma_start3A_70, %dma_start3A_71] : memref<320x128xf32, #tpu.memory_space<vmem>> -> memref<64x128xf32, #tpu.memory_space<vmem>>
    %dma_start3A_73 = arith.constant 0 : i32
    %dma_start3A_74 = tpu.memref_slice %arg4[%mul3A_2, %dma_start3A_73] : memref<2048x128xf32, #tpu.memory_space<hbm>> -> memref<64x128xf32, #tpu.memory_space<hbm>>
    tpu.enqueue_dma source(%dma_start3A_74 : memref<64x128xf32, #tpu.memory_space<hbm>>) target(%dma_start3A_72 : memref<64x128xf32, #tpu.memory_space<vmem>>) target_semaphore(%dma_start3A_69 : memref<!tpu.dma_semaphore, #tpu.memory_space<semaphore_mem>>)
    %dma_wait3A = arith.constant 0 : i32
    %dma_wait3A_75 = arith.constant 0 : i32
    %dma_wait3A_76 = arith.constant 0 : i32
    %dma_wait3A_77 = arith.constant 0 : i32
    %dma_wait3A_78 = tpu.memref_slice %arg6[%dma_wait3A_75, %dma_wait3A_77] : memref<4x64xi32, #tpu.memory_space<vmem>> -> memref<1x64xi32, #tpu.memory_space<vmem>>
    %dma_wait3A_79 = tpu.memref_squeeze %dma_wait3A_78 : memref<1x64xi32, #tpu.memory_space<vmem>> -> memref<64xi32, #tpu.memory_space<vmem>>
    %dma_wait3A_80 = tpu.memref_slice %arg2[%dma_wait3A, %mul3A_2] : memref<4x2048xi32, #tpu.memory_space<hbm>> -> memref<1x64xi32, #tpu.memory_space<hbm>>
    %dma_wait3A_81 = tpu.memref_squeeze %dma_wait3A_80 : memref<1x64xi32, #tpu.memory_space<hbm>> -> memref<64xi32, #tpu.memory_space<hbm>>
    %dma_wait3A_82 = tpu.memref_slice %arg8[%dma_wait3A_76] : memref<17x!tpu.dma_semaphore, #tpu.memory_space<semaphore_mem>> -> memref<1x!tpu.dma_semaphore, #tpu.memory_space<semaphore_mem>>
    %dma_wait3A_83 = tpu.memref_squeeze %dma_wait3A_82 : memref<1x!tpu.dma_semaphore, #tpu.memory_space<semaphore_mem>> -> memref<!tpu.dma_semaphore, #tpu.memory_space<semaphore_mem>>
    %dma_wait3A_84 = arith.constant 0 : i32
    %dma_wait3A_85 = tpu.memref_slice %arg6[%dma_wait3A_75, %dma_wait3A_84] : memref<4x64xi32, #tpu.memory_space<vmem>> -> memref<1x64xi32, #tpu.memory_space<vmem>>
    %dma_wait3A_86 = tpu.memref_squeeze %dma_wait3A_85 : memref<1x64xi32, #tpu.memory_space<vmem>> -> memref<64xi32, #tpu.memory_space<vmem>>
    %dma_wait3A_87 = tpu.memref_slice %arg2[%dma_wait3A, %mul3A_2] : memref<4x2048xi32, #tpu.memory_space<hbm>> -> memref<1x64xi32, #tpu.memory_space<hbm>>
    %dma_wait3A_88 = tpu.memref_squeeze %dma_wait3A_87 : memref<1x64xi32, #tpu.memory_space<hbm>> -> memref<64xi32, #tpu.memory_space<hbm>>
    tpu.wait_dma2 semaphore(%dma_wait3A_83 : memref<!tpu.dma_semaphore, #tpu.memory_space<semaphore_mem>>) src(%dma_wait3A_88 : memref<64xi32, #tpu.memory_space<hbm>>) dst(%dma_wait3A_86 : memref<64xi32, #tpu.memory_space<vmem>>)
    %dma_start3A_89 = arith.constant 0 : i32
    %dma_start3A_90 = arith.constant 5 : i32
    %dma_start3A_91 = arith.constant 64 : i32
    %dma_start3A_92 = arith.constant 0 : i32
    %dma_start3A_93 = tpu.memref_slice %arg7[%dma_start3A_91, %dma_start3A_92] : memref<320x128xf32, #tpu.memory_space<vmem>> -> memref<64x128xf32, #tpu.memory_space<vmem>>
    %dma_start3A_94 = arith.constant 0 : i32
    %dma_start3A_95 = tpu.memref_slice %arg6[%dma_start3A_89, %dma_start3A_94] : memref<4x64xi32, #tpu.memory_space<vmem>> -> memref<1x64xi32, #tpu.memory_space<vmem>>
    %dma_start3A_96 = tpu.memref_squeeze %dma_start3A_95 : memref<1x64xi32, #tpu.memory_space<vmem>> -> memref<64xi32, #tpu.memory_space<vmem>>
    %dma_start3A_97 = arith.constant 0 : i32
    %dma_start3A_98 = arith.constant 0 : i32
    %dma_start3A_99 = tpu.memref_slice %arg3[%dma_start3A_97, %dma_start3A_98] : memref<1000000x128xf32, #tpu.memory_space<hbm>> -> memref<1000000x128xf32, #tpu.memory_space<hbm>>
    %dma_start3A_100 = tpu.memref_slice %arg8[%dma_start3A_90] : memref<17x!tpu.dma_semaphore, #tpu.memory_space<semaphore_mem>> -> memref<1x!tpu.dma_semaphore, #tpu.memory_space<semaphore_mem>>
    %dma_start3A_101 = tpu.memref_squeeze %dma_start3A_100 : memref<1x!tpu.dma_semaphore, #tpu.memory_space<semaphore_mem>> -> memref<!tpu.dma_semaphore, #tpu.memory_space<semaphore_mem>>
    tpu.enqueue_indirect_dma source(%dma_start3A_99 : memref<1000000x128xf32, #tpu.memory_space<hbm>>) target(%dma_start3A_93 : memref<64x128xf32, #tpu.memory_space<vmem>>) offsets(%dma_start3A_96 : memref<64xi32, #tpu.memory_space<vmem>>) semaphore(%dma_start3A_101 : memref<!tpu.dma_semaphore, #tpu.memory_space<semaphore_mem>>)
    %dma_wait3A_102 = arith.constant 1 : i32
    %dma_wait3A_103 = arith.constant 1 : i32
    %dma_wait3A_104 = arith.constant 1 : i32
    %dma_wait3A_105 = arith.constant 0 : i32
    %dma_wait3A_106 = tpu.memref_slice %arg6[%dma_wait3A_103, %dma_wait3A_105] : memref<4x64xi32, #tpu.memory_space<vmem>> -> memref<1x64xi32, #tpu.memory_space<vmem>>
    %dma_wait3A_107 = tpu.memref_squeeze %dma_wait3A_106 : memref<1x64xi32, #tpu.memory_space<vmem>> -> memref<64xi32, #tpu.memory_space<vmem>>
    %dma_wait3A_108 = tpu.memref_slice %arg2[%dma_wait3A_102, %mul3A_2] : memref<4x2048xi32, #tpu.memory_space<hbm>> -> memref<1x64xi32, #tpu.memory_space<hbm>>
    %dma_wait3A_109 = tpu.memref_squeeze %dma_wait3A_108 : memref<1x64xi32, #tpu.memory_space<hbm>> -> memref<64xi32, #tpu.memory_space<hbm>>
    %dma_wait3A_110 = tpu.memref_slice %arg8[%dma_wait3A_104] : memref<17x!tpu.dma_semaphore, #tpu.memory_space<semaphore_mem>> -> memref<1x!tpu.dma_semaphore, #tpu.memory_space<semaphore_mem>>
    %dma_wait3A_111 = tpu.memref_squeeze %dma_wait3A_110 : memref<1x!tpu.dma_semaphore, #tpu.memory_space<semaphore_mem>> -> memref<!tpu.dma_semaphore, #tpu.memory_space<semaphore_mem>>
    %dma_wait3A_112 = arith.constant 0 : i32
    %dma_wait3A_113 = tpu.memref_slice %arg6[%dma_wait3A_103, %dma_wait3A_112] : memref<4x64xi32, #tpu.memory_space<vmem>> -> memref<1x64xi32, #tpu.memory_space<vmem>>
    %dma_wait3A_114 = tpu.memref_squeeze %dma_wait3A_113 : memref<1x64xi32, #tpu.memory_space<vmem>> -> memref<64xi32, #tpu.memory_space<vmem>>
    %dma_wait3A_115 = tpu.memref_slice %arg2[%dma_wait3A_102, %mul3A_2] : memref<4x2048xi32, #tpu.memory_space<hbm>> -> memref<1x64xi32, #tpu.memory_space<hbm>>
    %dma_wait3A_116 = tpu.memref_squeeze %dma_wait3A_115 : memref<1x64xi32, #tpu.memory_space<hbm>> -> memref<64xi32, #tpu.memory_space<hbm>>
    tpu.wait_dma2 semaphore(%dma_wait3A_111 : memref<!tpu.dma_semaphore, #tpu.memory_space<semaphore_mem>>) src(%dma_wait3A_116 : memref<64xi32, #tpu.memory_space<hbm>>) dst(%dma_wait3A_114 : memref<64xi32, #tpu.memory_space<vmem>>)
    %dma_start3A_117 = arith.constant 1 : i32
    %dma_start3A_118 = arith.constant 6 : i32
    %dma_start3A_119 = arith.constant 128 : i32
    %dma_start3A_120 = arith.constant 0 : i32
    %dma_start3A_121 = tpu.memref_slice %arg7[%dma_start3A_119, %dma_start3A_120] : memref<320x128xf32, #tpu.memory_space<vmem>> -> memref<64x128xf32, #tpu.memory_space<vmem>>
    %dma_start3A_122 = arith.constant 0 : i32
    %dma_start3A_123 = tpu.memref_slice %arg6[%dma_start3A_117, %dma_start3A_122] : memref<4x64xi32, #tpu.memory_space<vmem>> -> memref<1x64xi32, #tpu.memory_space<vmem>>
    %dma_start3A_124 = tpu.memref_squeeze %dma_start3A_123 : memref<1x64xi32, #tpu.memory_space<vmem>> -> memref<64xi32, #tpu.memory_space<vmem>>
    %dma_start3A_125 = arith.constant 0 : i32
    %dma_start3A_126 = arith.constant 0 : i32
    %dma_start3A_127 = tpu.memref_slice %arg3[%dma_start3A_125, %dma_start3A_126] : memref<1000000x128xf32, #tpu.memory_space<hbm>> -> memref<1000000x128xf32, #tpu.memory_space<hbm>>
    %dma_start3A_128 = tpu.memref_slice %arg8[%dma_start3A_118] : memref<17x!tpu.dma_semaphore, #tpu.memory_space<semaphore_mem>> -> memref<1x!tpu.dma_semaphore, #tpu.memory_space<semaphore_mem>>
    %dma_start3A_129 = tpu.memref_squeeze %dma_start3A_128 : memref<1x!tpu.dma_semaphore, #tpu.memory_space<semaphore_mem>> -> memref<!tpu.dma_semaphore, #tpu.memory_space<semaphore_mem>>
    tpu.enqueue_indirect_dma source(%dma_start3A_127 : memref<1000000x128xf32, #tpu.memory_space<hbm>>) target(%dma_start3A_121 : memref<64x128xf32, #tpu.memory_space<vmem>>) offsets(%dma_start3A_124 : memref<64xi32, #tpu.memory_space<vmem>>) semaphore(%dma_start3A_129 : memref<!tpu.dma_semaphore, #tpu.memory_space<semaphore_mem>>)
    %dma_wait3A_130 = arith.constant 4 : i32
    %dma_wait3A_131 = arith.constant 0 : i32
    %dma_wait3A_132 = arith.constant 0 : i32
    %dma_wait3A_133 = tpu.memref_slice %arg7[%dma_wait3A_131, %dma_wait3A_132] : memref<320x128xf32, #tpu.memory_space<vmem>> -> memref<64x128xf32, #tpu.memory_space<vmem>>
    %dma_wait3A_134 = arith.constant 0 : i32
    %dma_wait3A_135 = tpu.memref_slice %arg4[%mul3A_2, %dma_wait3A_134] : memref<2048x128xf32, #tpu.memory_space<hbm>> -> memref<64x128xf32, #tpu.memory_space<hbm>>
    %dma_wait3A_136 = tpu.memref_slice %arg8[%dma_wait3A_130] : memref<17x!tpu.dma_semaphore, #tpu.memory_space<semaphore_mem>> -> memref<1x!tpu.dma_semaphore, #tpu.memory_space<semaphore_mem>>
    %dma_wait3A_137 = tpu.memref_squeeze %dma_wait3A_136 : memref<1x!tpu.dma_semaphore, #tpu.memory_space<semaphore_mem>> -> memref<!tpu.dma_semaphore, #tpu.memory_space<semaphore_mem>>
    %dma_wait3A_138 = arith.constant 0 : i32
    %dma_wait3A_139 = arith.constant 0 : i32
    %dma_wait3A_140 = tpu.memref_slice %arg7[%dma_wait3A_138, %dma_wait3A_139] : memref<320x128xf32, #tpu.memory_space<vmem>> -> memref<64x128xf32, #tpu.memory_space<vmem>>
    %dma_wait3A_141 = arith.constant 0 : i32
    %dma_wait3A_142 = tpu.memref_slice %arg4[%mul3A_2, %dma_wait3A_141] : memref<2048x128xf32, #tpu.memory_space<hbm>> -> memref<64x128xf32, #tpu.memory_space<hbm>>
    tpu.wait_dma2 semaphore(%dma_wait3A_137 : memref<!tpu.dma_semaphore, #tpu.memory_space<semaphore_mem>>) src(%dma_wait3A_142 : memref<64x128xf32, #tpu.memory_space<hbm>>) dst(%dma_wait3A_140 : memref<64x128xf32, #tpu.memory_space<vmem>>)
    %scan3A = arith.constant 0 : i32
    %scan3A_143 = arith.constant 0 : i32
    %scan3A_144 = arith.constant 64 : i32
    %scan3A_145 = arith.addi %scan3A_143, %scan3A_144 : i32
    %scan3A_146 = arith.constant 1 : i32
    scf.for %scan3A_514 = %scan3A_143 to %scan3A_145 step %scan3A_146  : i32 {
      %add3A_515 = arith.constant 0 : i32
      %add3A_516 = arith.addi %add3A_515, %scan3A_514 : i32
      %get3A = arith.index_cast %add3A_516 : i32 to index
      %get3A_517 = arith.constant 0 : index
      %get3A_518 = tpu.vector_load %arg7[%get3A, %get3A_517] {strides = array<i32>} : memref<320x128xf32, #tpu.memory_space<vmem>>, vector<1x16xf32>,
      %get3A_519 = vector.shape_cast %get3A_518 : vector<1x16xf32> to vector<16xf32>
      %add3A_520 = arith.constant 192 : i32
      %add3A_521 = arith.addi %add3A_520, %scan3A_514 : i32
      %swap3A = arith.index_cast %add3A_521 : i32 to index
      %swap3A_522 = arith.constant 0 : index
      %swap3A_523 = tpu.vector_load %arg7[%swap3A, %swap3A_522] {strides = array<i32>} : memref<320x128xf32, #tpu.memory_space<vmem>>, vector<1x16xf32>,
      %swap3A_524 = vector.shape_cast %swap3A_523 : vector<1x16xf32> to vector<16xf32>
      %swap3A_525 = vector.shape_cast %get3A_519 : vector<16xf32> to vector<1x16xf32>
      tpu.vector_store %arg7[%swap3A, %swap3A_522], %swap3A_525 {strides = array<i32>} : memref<320x128xf32, #tpu.memory_space<vmem>>, vector<1x16xf32>,
      %add3A_526 = arith.constant 0 : i32
      %add3A_527 = arith.addi %add3A_526, %scan3A_514 : i32
      %get3A_528 = arith.index_cast %add3A_527 : i32 to index
      %get3A_529 = arith.constant 16 : index
      %get3A_530 = tpu.vector_load %arg7[%get3A_528, %get3A_529] {strides = array<i32>} : memref<320x128xf32, #tpu.memory_space<vmem>>, vector<1x16xf32>,
      %get3A_531 = vector.shape_cast %get3A_530 : vector<1x16xf32> to vector<16xf32>
      %add3A_532 = arith.constant 192 : i32
      %add3A_533 = arith.addi %add3A_532, %scan3A_514 : i32
      %swap3A_534 = arith.index_cast %add3A_533 : i32 to index
      %swap3A_535 = arith.constant 16 : index
      %swap3A_536 = tpu.vector_load %arg7[%swap3A_534, %swap3A_535] {strides = array<i32>} : memref<320x128xf32, #tpu.memory_space<vmem>>, vector<1x16xf32>,
      %swap3A_537 = vector.shape_cast %swap3A_536 : vector<1x16xf32> to vector<16xf32>
      %swap3A_538 = vector.shape_cast %get3A_531 : vector<16xf32> to vector<1x16xf32>
      tpu.vector_store %arg7[%swap3A_534, %swap3A_535], %swap3A_538 {strides = array<i32>} : memref<320x128xf32, #tpu.memory_space<vmem>>, vector<1x16xf32>,
      %add3A_539 = arith.constant 0 : i32
      %add3A_540 = arith.addi %add3A_539, %scan3A_514 : i32
      %get3A_541 = arith.index_cast %add3A_540 : i32 to index
      %get3A_542 = arith.constant 32 : index
      %get3A_543 = tpu.vector_load %arg7[%get3A_541, %get3A_542] {strides = array<i32>} : memref<320x128xf32, #tpu.memory_space<vmem>>, vector<1x16xf32>,
      %get3A_544 = vector.shape_cast %get3A_543 : vector<1x16xf32> to vector<16xf32>
      %add3A_545 = arith.constant 192 : i32
      %add3A_546 = arith.addi %add3A_545, %scan3A_514 : i32
      %swap3A_547 = arith.index_cast %add3A_546 : i32 to index
      %swap3A_548 = arith.constant 32 : index
      %swap3A_549 = tpu.vector_load %arg7[%swap3A_547, %swap3A_548] {strides = array<i32>} : memref<320x128xf32, #tpu.memory_space<vmem>>, vector<1x16xf32>,
      %swap3A_550 = vector.shape_cast %swap3A_549 : vector<1x16xf32> to vector<16xf32>
      %swap3A_551 = vector.shape_cast %get3A_544 : vector<16xf32> to vector<1x16xf32>
      tpu.vector_store %arg7[%swap3A_547, %swap3A_548], %swap3A_551 {strides = array<i32>} : memref<320x128xf32, #tpu.memory_space<vmem>>, vector<1x16xf32>,
      %add3A_552 = arith.constant 0 : i32
      %add3A_553 = arith.addi %add3A_552, %scan3A_514 : i32
      %get3A_554 = arith.index_cast %add3A_553 : i32 to index
      %get3A_555 = arith.constant 48 : index
      %get3A_556 = tpu.vector_load %arg7[%get3A_554, %get3A_555] {strides = array<i32>} : memref<320x128xf32, #tpu.memory_space<vmem>>, vector<1x16xf32>,
      %get3A_557 = vector.shape_cast %get3A_556 : vector<1x16xf32> to vector<16xf32>
      %add3A_558 = arith.constant 192 : i32
      %add3A_559 = arith.addi %add3A_558, %scan3A_514 : i32
      %swap3A_560 = arith.index_cast %add3A_559 : i32 to index
      %swap3A_561 = arith.constant 48 : index
      %swap3A_562 = tpu.vector_load %arg7[%swap3A_560, %swap3A_561] {strides = array<i32>} : memref<320x128xf32, #tpu.memory_space<vmem>>, vector<1x16xf32>,
      %swap3A_563 = vector.shape_cast %swap3A_562 : vector<1x16xf32> to vector<16xf32>
      %swap3A_564 = vector.shape_cast %get3A_557 : vector<16xf32> to vector<1x16xf32>
      tpu.vector_store %arg7[%swap3A_560, %swap3A_561], %swap3A_564 {strides = array<i32>} : memref<320x128xf32, #tpu.memory_space<vmem>>, vector<1x16xf32>,
      %add3A_565 = arith.constant 0 : i32
      %add3A_566 = arith.addi %add3A_565, %scan3A_514 : i32
      %get3A_567 = arith.index_cast %add3A_566 : i32 to index
      %get3A_568 = arith.constant 64 : index
      %get3A_569 = tpu.vector_load %arg7[%get3A_567, %get3A_568] {strides = array<i32>} : memref<320x128xf32, #tpu.memory_space<vmem>>, vector<1x16xf32>,
      %get3A_570 = vector.shape_cast %get3A_569 : vector<1x16xf32> to vector<16xf32>
      %add3A_571 = arith.constant 192 : i32
      %add3A_572 = arith.addi %add3A_571, %scan3A_514 : i32
      %swap3A_573 = arith.index_cast %add3A_572 : i32 to index
      %swap3A_574 = arith.constant 64 : index
      %swap3A_575 = tpu.vector_load %arg7[%swap3A_573, %swap3A_574] {strides = array<i32>} : memref<320x128xf32, #tpu.memory_space<vmem>>, vector<1x16xf32>,
      %swap3A_576 = vector.shape_cast %swap3A_575 : vector<1x16xf32> to vector<16xf32>
      %swap3A_577 = vector.shape_cast %get3A_570 : vector<16xf32> to vector<1x16xf32>
      tpu.vector_store %arg7[%swap3A_573, %swap3A_574], %swap3A_577 {strides = array<i32>} : memref<320x128xf32, #tpu.memory_space<vmem>>, vector<1x16xf32>,
      %add3A_578 = arith.constant 0 : i32
      %add3A_579 = arith.addi %add3A_578, %scan3A_514 : i32
      %get3A_580 = arith.index_cast %add3A_579 : i32 to index
      %get3A_581 = arith.constant 80 : index
      %get3A_582 = tpu.vector_load %arg7[%get3A_580, %get3A_581] {strides = array<i32>} : memref<320x128xf32, #tpu.memory_space<vmem>>, vector<1x16xf32>,
      %get3A_583 = vector.shape_cast %get3A_582 : vector<1x16xf32> to vector<16xf32>
      %add3A_584 = arith.constant 192 : i32
      %add3A_585 = arith.addi %add3A_584, %scan3A_514 : i32
      %swap3A_586 = arith.index_cast %add3A_585 : i32 to index
      %swap3A_587 = arith.constant 80 : index
      %swap3A_588 = tpu.vector_load %arg7[%swap3A_586, %swap3A_587] {strides = array<i32>} : memref<320x128xf32, #tpu.memory_space<vmem>>, vector<1x16xf32>,
      %swap3A_589 = vector.shape_cast %swap3A_588 : vector<1x16xf32> to vector<16xf32>
      %swap3A_590 = vector.shape_cast %get3A_583 : vector<16xf32> to vector<1x16xf32>
      tpu.vector_store %arg7[%swap3A_586, %swap3A_587], %swap3A_590 {strides = array<i32>} : memref<320x128xf32, #tpu.memory_space<vmem>>, vector<1x16xf32>,
      %add3A_591 = arith.constant 0 : i32
      %add3A_592 = arith.addi %add3A_591, %scan3A_514 : i32
      %get3A_593 = arith.index_cast %add3A_592 : i32 to index
      %get3A_594 = arith.constant 96 : index
      %get3A_595 = tpu.vector_load %arg7[%get3A_593, %get3A_594] {strides = array<i32>} : memref<320x128xf32, #tpu.memory_space<vmem>>, vector<1x16xf32>,
      %get3A_596 = vector.shape_cast %get3A_595 : vector<1x16xf32> to vector<16xf32>
      %add3A_597 = arith.constant 192 : i32
      %add3A_598 = arith.addi %add3A_597, %scan3A_514 : i32
      %swap3A_599 = arith.index_cast %add3A_598 : i32 to index
      %swap3A_600 = arith.constant 96 : index
      %swap3A_601 = tpu.vector_load %arg7[%swap3A_599, %swap3A_600] {strides = array<i32>} : memref<320x128xf32, #tpu.memory_space<vmem>>, vector<1x16xf32>,
      %swap3A_602 = vector.shape_cast %swap3A_601 : vector<1x16xf32> to vector<16xf32>
      %swap3A_603 = vector.shape_cast %get3A_596 : vector<16xf32> to vector<1x16xf32>
      tpu.vector_store %arg7[%swap3A_599, %swap3A_600], %swap3A_603 {strides = array<i32>} : memref<320x128xf32, #tpu.memory_space<vmem>>, vector<1x16xf32>,
      %add3A_604 = arith.constant 0 : i32
      %add3A_605 = arith.addi %add3A_604, %scan3A_514 : i32
      %get3A_606 = arith.index_cast %add3A_605 : i32 to index
      %get3A_607 = arith.constant 112 : index
      %get3A_608 = tpu.vector_load %arg7[%get3A_606, %get3A_607] {strides = array<i32>} : memref<320x128xf32, #tpu.memory_space<vmem>>, vector<1x16xf32>,
      %get3A_609 = vector.shape_cast %get3A_608 : vector<1x16xf32> to vector<16xf32>
      %add3A_610 = arith.constant 192 : i32
      %add3A_611 = arith.addi %add3A_610, %scan3A_514 : i32
      %swap3A_612 = arith.index_cast %add3A_611 : i32 to index
      %swap3A_613 = arith.constant 112 : index
      %swap3A_614 = tpu.vector_load %arg7[%swap3A_612, %swap3A_613] {strides = array<i32>} : memref<320x128xf32, #tpu.memory_space<vmem>>, vector<1x16xf32>,
      %swap3A_615 = vector.shape_cast %swap3A_614 : vector<1x16xf32> to vector<16xf32>
      %swap3A_616 = vector.shape_cast %get3A_609 : vector<16xf32> to vector<1x16xf32>
      tpu.vector_store %arg7[%swap3A_612, %swap3A_613], %swap3A_616 {strides = array<i32>} : memref<320x128xf32, #tpu.memory_space<vmem>>, vector<1x16xf32>,
    }
    %scan3A_147 = arith.constant 64 : i32
    %dma_wait3A_148 = arith.constant 2 : i32
    %dma_wait3A_149 = arith.constant 2 : i32
    %dma_wait3A_150 = arith.constant 2 : i32
    %dma_wait3A_151 = arith.constant 0 : i32
    %dma_wait3A_152 = tpu.memref_slice %arg6[%dma_wait3A_149, %dma_wait3A_151] : memref<4x64xi32, #tpu.memory_space<vmem>> -> memref<1x64xi32, #tpu.memory_space<vmem>>
    %dma_wait3A_153 = tpu.memref_squeeze %dma_wait3A_152 : memref<1x64xi32, #tpu.memory_space<vmem>> -> memref<64xi32, #tpu.memory_space<vmem>>
    %dma_wait3A_154 = tpu.memref_slice %arg2[%dma_wait3A_148, %mul3A_2] : memref<4x2048xi32, #tpu.memory_space<hbm>> -> memref<1x64xi32, #tpu.memory_space<hbm>>
    %dma_wait3A_155 = tpu.memref_squeeze %dma_wait3A_154 : memref<1x64xi32, #tpu.memory_space<hbm>> -> memref<64xi32, #tpu.memory_space<hbm>>
    %dma_wait3A_156 = tpu.memref_slice %arg8[%dma_wait3A_150] : memref<17x!tpu.dma_semaphore, #tpu.memory_space<semaphore_mem>> -> memref<1x!tpu.dma_semaphore, #tpu.memory_space<semaphore_mem>>
    %dma_wait3A_157 = tpu.memref_squeeze %dma_wait3A_156 : memref<1x!tpu.dma_semaphore, #tpu.memory_space<semaphore_mem>> -> memref<!tpu.dma_semaphore, #tpu.memory_space<semaphore_mem>>
    %dma_wait3A_158 = arith.constant 0 : i32
    %dma_wait3A_159 = tpu.memref_slice %arg6[%dma_wait3A_149, %dma_wait3A_158] : memref<4x64xi32, #tpu.memory_space<vmem>> -> memref<1x64xi32, #tpu.memory_space<vmem>>
    %dma_wait3A_160 = tpu.memref_squeeze %dma_wait3A_159 : memref<1x64xi32, #tpu.memory_space<vmem>> -> memref<64xi32, #tpu.memory_space<vmem>>
    %dma_wait3A_161 = tpu.memref_slice %arg2[%dma_wait3A_148, %mul3A_2] : memref<4x2048xi32, #tpu.memory_space<hbm>> -> memref<1x64xi32, #tpu.memory_space<hbm>>
    %dma_wait3A_162 = tpu.memref_squeeze %dma_wait3A_161 : memref<1x64xi32, #tpu.memory_space<hbm>> -> memref<64xi32, #tpu.memory_space<hbm>>
    tpu.wait_dma2 semaphore(%dma_wait3A_157 : memref<!tpu.dma_semaphore, #tpu.memory_space<semaphore_mem>>) src(%dma_wait3A_162 : memref<64xi32, #tpu.memory_space<hbm>>) dst(%dma_wait3A_160 : memref<64xi32, #tpu.memory_space<vmem>>)
    %dma_start3A_163 = arith.constant 2 : i32
    %dma_start3A_164 = arith.constant 7 : i32
    %dma_start3A_165 = arith.constant 192 : i32
    %dma_start3A_166 = arith.constant 0 : i32
    %dma_start3A_167 = tpu.memref_slice %arg7[%dma_start3A_165, %dma_start3A_166] : memref<320x128xf32, #tpu.memory_space<vmem>> -> memref<64x128xf32, #tpu.memory_space<vmem>>
    %dma_start3A_168 = arith.constant 0 : i32
    %dma_start3A_169 = tpu.memref_slice %arg6[%dma_start3A_163, %dma_start3A_168] : memref<4x64xi32, #tpu.memory_space<vmem>> -> memref<1x64xi32, #tpu.memory_space<vmem>>
    %dma_start3A_170 = tpu.memref_squeeze %dma_start3A_169 : memref<1x64xi32, #tpu.memory_space<vmem>> -> memref<64xi32, #tpu.memory_space<vmem>>
    %dma_start3A_171 = arith.constant 0 : i32
    %dma_start3A_172 = arith.constant 0 : i32
    %dma_start3A_173 = tpu.memref_slice %arg3[%dma_start3A_171, %dma_start3A_172] : memref<1000000x128xf32, #tpu.memory_space<hbm>> -> memref<1000000x128xf32, #tpu.memory_space<hbm>>
    %dma_start3A_174 = tpu.memref_slice %arg8[%dma_start3A_164] : memref<17x!tpu.dma_semaphore, #tpu.memory_space<semaphore_mem>> -> memref<1x!tpu.dma_semaphore, #tpu.memory_space<semaphore_mem>>
    %dma_start3A_175 = tpu.memref_squeeze %dma_start3A_174 : memref<1x!tpu.dma_semaphore, #tpu.memory_space<semaphore_mem>> -> memref<!tpu.dma_semaphore, #tpu.memory_space<semaphore_mem>>
    tpu.enqueue_indirect_dma source(%dma_start3A_173 : memref<1000000x128xf32, #tpu.memory_space<hbm>>) target(%dma_start3A_167 : memref<64x128xf32, #tpu.memory_space<vmem>>) offsets(%dma_start3A_170 : memref<64xi32, #tpu.memory_space<vmem>>) semaphore(%dma_start3A_175 : memref<!tpu.dma_semaphore, #tpu.memory_space<semaphore_mem>>) {add = true}
    %scan3A_176 = arith.constant 0 : i32
    %scan3A_177 = arith.constant 0 : i32
    %scan3A_178 = arith.constant 64 : i32
    %scan3A_179 = arith.addi %scan3A_177, %scan3A_178 : i32
    %scan3A_180 = arith.constant 1 : i32
    scf.for %scan3A_514 = %scan3A_177 to %scan3A_179 step %scan3A_180  : i32 {
      %add3A_515 = arith.constant 0 : i32
      %add3A_516 = arith.addi %add3A_515, %scan3A_514 : i32
      %get3A = arith.index_cast %add3A_516 : i32 to index
      %get3A_517 = arith.constant 0 : index
      %get3A_518 = tpu.vector_load %arg7[%get3A, %get3A_517] {strides = array<i32>} : memref<320x128xf32, #tpu.memory_space<vmem>>, vector<1x16xf32>,
      %get3A_519 = vector.shape_cast %get3A_518 : vector<1x16xf32> to vector<16xf32>
      %add3A_520 = arith.constant 256 : i32
      %add3A_521 = arith.addi %add3A_520, %scan3A_514 : i32
      %swap3A = arith.index_cast %add3A_521 : i32 to index
      %swap3A_522 = arith.constant 0 : index
      %swap3A_523 = tpu.vector_load %arg7[%swap3A, %swap3A_522] {strides = array<i32>} : memref<320x128xf32, #tpu.memory_space<vmem>>, vector<1x16xf32>,
      %swap3A_524 = vector.shape_cast %swap3A_523 : vector<1x16xf32> to vector<16xf32>
      %swap3A_525 = vector.shape_cast %get3A_519 : vector<16xf32> to vector<1x16xf32>
      tpu.vector_store %arg7[%swap3A, %swap3A_522], %swap3A_525 {strides = array<i32>} : memref<320x128xf32, #tpu.memory_space<vmem>>, vector<1x16xf32>,
      %add3A_526 = arith.constant 0 : i32
      %add3A_527 = arith.addi %add3A_526, %scan3A_514 : i32
      %get3A_528 = arith.index_cast %add3A_527 : i32 to index
      %get3A_529 = arith.constant 16 : index
      %get3A_530 = tpu.vector_load %arg7[%get3A_528, %get3A_529] {strides = array<i32>} : memref<320x128xf32, #tpu.memory_space<vmem>>, vector<1x16xf32>,
      %get3A_531 = vector.shape_cast %get3A_530 : vector<1x16xf32> to vector<16xf32>
      %add3A_532 = arith.constant 256 : i32
      %add3A_533 = arith.addi %add3A_532, %scan3A_514 : i32
      %swap3A_534 = arith.index_cast %add3A_533 : i32 to index
      %swap3A_535 = arith.constant 16 : index
      %swap3A_536 = tpu.vector_load %arg7[%swap3A_534, %swap3A_535] {strides = array<i32>} : memref<320x128xf32, #tpu.memory_space<vmem>>, vector<1x16xf32>,
      %swap3A_537 = vector.shape_cast %swap3A_536 : vector<1x16xf32> to vector<16xf32>
      %swap3A_538 = vector.shape_cast %get3A_531 : vector<16xf32> to vector<1x16xf32>
      tpu.vector_store %arg7[%swap3A_534, %swap3A_535], %swap3A_538 {strides = array<i32>} : memref<320x128xf32, #tpu.memory_space<vmem>>, vector<1x16xf32>,
      %add3A_539 = arith.constant 0 : i32
      %add3A_540 = arith.addi %add3A_539, %scan3A_514 : i32
      %get3A_541 = arith.index_cast %add3A_540 : i32 to index
      %get3A_542 = arith.constant 32 : index
      %get3A_543 = tpu.vector_load %arg7[%get3A_541, %get3A_542] {strides = array<i32>} : memref<320x128xf32, #tpu.memory_space<vmem>>, vector<1x16xf32>,
      %get3A_544 = vector.shape_cast %get3A_543 : vector<1x16xf32> to vector<16xf32>
      %add3A_545 = arith.constant 256 : i32
      %add3A_546 = arith.addi %add3A_545, %scan3A_514 : i32
      %swap3A_547 = arith.index_cast %add3A_546 : i32 to index
      %swap3A_548 = arith.constant 32 : index
      %swap3A_549 = tpu.vector_load %arg7[%swap3A_547, %swap3A_548] {strides = array<i32>} : memref<320x128xf32, #tpu.memory_space<vmem>>, vector<1x16xf32>,
      %swap3A_550 = vector.shape_cast %swap3A_549 : vector<1x16xf32> to vector<16xf32>
      %swap3A_551 = vector.shape_cast %get3A_544 : vector<16xf32> to vector<1x16xf32>
      tpu.vector_store %arg7[%swap3A_547, %swap3A_548], %swap3A_551 {strides = array<i32>} : memref<320x128xf32, #tpu.memory_space<vmem>>, vector<1x16xf32>,
      %add3A_552 = arith.constant 0 : i32
      %add3A_553 = arith.addi %add3A_552, %scan3A_514 : i32
      %get3A_554 = arith.index_cast %add3A_553 : i32 to index
      %get3A_555 = arith.constant 48 : index
      %get3A_556 = tpu.vector_load %arg7[%get3A_554, %get3A_555] {strides = array<i32>} : memref<320x128xf32, #tpu.memory_space<vmem>>, vector<1x16xf32>,
      %get3A_557 = vector.shape_cast %get3A_556 : vector<1x16xf32> to vector<16xf32>
      %add3A_558 = arith.constant 256 : i32
      %add3A_559 = arith.addi %add3A_558, %scan3A_514 : i32
      %swap3A_560 = arith.index_cast %add3A_559 : i32 to index
      %swap3A_561 = arith.constant 48 : index
      %swap3A_562 = tpu.vector_load %arg7[%swap3A_560, %swap3A_561] {strides = array<i32>} : memref<320x128xf32, #tpu.memory_space<vmem>>, vector<1x16xf32>,
      %swap3A_563 = vector.shape_cast %swap3A_562 : vector<1x16xf32> to vector<16xf32>
      %swap3A_564 = vector.shape_cast %get3A_557 : vector<16xf32> to vector<1x16xf32>
      tpu.vector_store %arg7[%swap3A_560, %swap3A_561], %swap3A_564 {strides = array<i32>} : memref<320x128xf32, #tpu.memory_space<vmem>>, vector<1x16xf32>,
      %add3A_565 = arith.constant 0 : i32
      %add3A_566 = arith.addi %add3A_565, %scan3A_514 : i32
      %get3A_567 = arith.index_cast %add3A_566 : i32 to index
      %get3A_568 = arith.constant 64 : index
      %get3A_569 = tpu.vector_load %arg7[%get3A_567, %get3A_568] {strides = array<i32>} : memref<320x128xf32, #tpu.memory_space<vmem>>, vector<1x16xf32>,
      %get3A_570 = vector.shape_cast %get3A_569 : vector<1x16xf32> to vector<16xf32>
      %add3A_571 = arith.constant 256 : i32
      %add3A_572 = arith.addi %add3A_571, %scan3A_514 : i32
      %swap3A_573 = arith.index_cast %add3A_572 : i32 to index
      %swap3A_574 = arith.constant 64 : index
      %swap3A_575 = tpu.vector_load %arg7[%swap3A_573, %swap3A_574] {strides = array<i32>} : memref<320x128xf32, #tpu.memory_space<vmem>>, vector<1x16xf32>,
      %swap3A_576 = vector.shape_cast %swap3A_575 : vector<1x16xf32> to vector<16xf32>
      %swap3A_577 = vector.shape_cast %get3A_570 : vector<16xf32> to vector<1x16xf32>
      tpu.vector_store %arg7[%swap3A_573, %swap3A_574], %swap3A_577 {strides = array<i32>} : memref<320x128xf32, #tpu.memory_space<vmem>>, vector<1x16xf32>,
      %add3A_578 = arith.constant 0 : i32
      %add3A_579 = arith.addi %add3A_578, %scan3A_514 : i32
      %get3A_580 = arith.index_cast %add3A_579 : i32 to index
      %get3A_581 = arith.constant 80 : index
      %get3A_582 = tpu.vector_load %arg7[%get3A_580, %get3A_581] {strides = array<i32>} : memref<320x128xf32, #tpu.memory_space<vmem>>, vector<1x16xf32>,
      %get3A_583 = vector.shape_cast %get3A_582 : vector<1x16xf32> to vector<16xf32>
      %add3A_584 = arith.constant 256 : i32
      %add3A_585 = arith.addi %add3A_584, %scan3A_514 : i32
      %swap3A_586 = arith.index_cast %add3A_585 : i32 to index
      %swap3A_587 = arith.constant 80 : index
      %swap3A_588 = tpu.vector_load %arg7[%swap3A_586, %swap3A_587] {strides = array<i32>} : memref<320x128xf32, #tpu.memory_space<vmem>>, vector<1x16xf32>,
      %swap3A_589 = vector.shape_cast %swap3A_588 : vector<1x16xf32> to vector<16xf32>
      %swap3A_590 = vector.shape_cast %get3A_583 : vector<16xf32> to vector<1x16xf32>
      tpu.vector_store %arg7[%swap3A_586, %swap3A_587], %swap3A_590 {strides = array<i32>} : memref<320x128xf32, #tpu.memory_space<vmem>>, vector<1x16xf32>,
      %add3A_591 = arith.constant 0 : i32
      %add3A_592 = arith.addi %add3A_591, %scan3A_514 : i32
      %get3A_593 = arith.index_cast %add3A_592 : i32 to index
      %get3A_594 = arith.constant 96 : index
      %get3A_595 = tpu.vector_load %arg7[%get3A_593, %get3A_594] {strides = array<i32>} : memref<320x128xf32, #tpu.memory_space<vmem>>, vector<1x16xf32>,
      %get3A_596 = vector.shape_cast %get3A_595 : vector<1x16xf32> to vector<16xf32>
      %add3A_597 = arith.constant 256 : i32
      %add3A_598 = arith.addi %add3A_597, %scan3A_514 : i32
      %swap3A_599 = arith.index_cast %add3A_598 : i32 to index
      %swap3A_600 = arith.constant 96 : index
      %swap3A_601 = tpu.vector_load %arg7[%swap3A_599, %swap3A_600] {strides = array<i32>} : memref<320x128xf32, #tpu.memory_space<vmem>>, vector<1x16xf32>,
      %swap3A_602 = vector.shape_cast %swap3A_601 : vector<1x16xf32> to vector<16xf32>
      %swap3A_603 = vector.shape_cast %get3A_596 : vector<16xf32> to vector<1x16xf32>
      tpu.vector_store %arg7[%swap3A_599, %swap3A_600], %swap3A_603 {strides = array<i32>} : memref<320x128xf32, #tpu.memory_space<vmem>>, vector<1x16xf32>,
      %add3A_604 = arith.constant 0 : i32
      %add3A_605 = arith.addi %add3A_604, %scan3A_514 : i32
      %get3A_606 = arith.index_cast %add3A_605 : i32 to index
      %get3A_607 = arith.constant 112 : index
      %get3A_608 = tpu.vector_load %arg7[%get3A_606, %get3A_607] {strides = array<i32>} : memref<320x128xf32, #tpu.memory_space<vmem>>, vector<1x16xf32>,
      %get3A_609 = vector.shape_cast %get3A_608 : vector<1x16xf32> to vector<16xf32>
      %add3A_610 = arith.constant 256 : i32
      %add3A_611 = arith.addi %add3A_610, %scan3A_514 : i32
      %swap3A_612 = arith.index_cast %add3A_611 : i32 to index
      %swap3A_613 = arith.constant 112 : index
      %swap3A_614 = tpu.vector_load %arg7[%swap3A_612, %swap3A_613] {strides = array<i32>} : memref<320x128xf32, #tpu.memory_space<vmem>>, vector<1x16xf32>,
      %swap3A_615 = vector.shape_cast %swap3A_614 : vector<1x16xf32> to vector<16xf32>
      %swap3A_616 = vector.shape_cast %get3A_609 : vector<16xf32> to vector<1x16xf32>
      tpu.vector_store %arg7[%swap3A_612, %swap3A_613], %swap3A_616 {strides = array<i32>} : memref<320x128xf32, #tpu.memory_space<vmem>>, vector<1x16xf32>,
    }
    %scan3A_181 = arith.constant 64 : i32
    %dma_wait3A_182 = arith.constant 3 : i32
    %dma_wait3A_183 = arith.constant 3 : i32
    %dma_wait3A_184 = arith.constant 3 : i32
    %dma_wait3A_185 = arith.constant 0 : i32
    %dma_wait3A_186 = tpu.memref_slice %arg6[%dma_wait3A_183, %dma_wait3A_185] : memref<4x64xi32, #tpu.memory_space<vmem>> -> memref<1x64xi32, #tpu.memory_space<vmem>>
    %dma_wait3A_187 = tpu.memref_squeeze %dma_wait3A_186 : memref<1x64xi32, #tpu.memory_space<vmem>> -> memref<64xi32, #tpu.memory_space<vmem>>
    %dma_wait3A_188 = tpu.memref_slice %arg2[%dma_wait3A_182, %mul3A_2] : memref<4x2048xi32, #tpu.memory_space<hbm>> -> memref<1x64xi32, #tpu.memory_space<hbm>>
    %dma_wait3A_189 = tpu.memref_squeeze %dma_wait3A_188 : memref<1x64xi32, #tpu.memory_space<hbm>> -> memref<64xi32, #tpu.memory_space<hbm>>
    %dma_wait3A_190 = tpu.memref_slice %arg8[%dma_wait3A_184] : memref<17x!tpu.dma_semaphore, #tpu.memory_space<semaphore_mem>> -> memref<1x!tpu.dma_semaphore, #tpu.memory_space<semaphore_mem>>
    %dma_wait3A_191 = tpu.memref_squeeze %dma_wait3A_190 : memref<1x!tpu.dma_semaphore, #tpu.memory_space<semaphore_mem>> -> memref<!tpu.dma_semaphore, #tpu.memory_space<semaphore_mem>>
    %dma_wait3A_192 = arith.constant 0 : i32
    %dma_wait3A_193 = tpu.memref_slice %arg6[%dma_wait3A_183, %dma_wait3A_192] : memref<4x64xi32, #tpu.memory_space<vmem>> -> memref<1x64xi32, #tpu.memory_space<vmem>>
    %dma_wait3A_194 = tpu.memref_squeeze %dma_wait3A_193 : memref<1x64xi32, #tpu.memory_space<vmem>> -> memref<64xi32, #tpu.memory_space<vmem>>
    %dma_wait3A_195 = tpu.memref_slice %arg2[%dma_wait3A_182, %mul3A_2] : memref<4x2048xi32, #tpu.memory_space<hbm>> -> memref<1x64xi32, #tpu.memory_space<hbm>>
    %dma_wait3A_196 = tpu.memref_squeeze %dma_wait3A_195 : memref<1x64xi32, #tpu.memory_space<hbm>> -> memref<64xi32, #tpu.memory_space<hbm>>
    tpu.wait_dma2 semaphore(%dma_wait3A_191 : memref<!tpu.dma_semaphore, #tpu.memory_space<semaphore_mem>>) src(%dma_wait3A_196 : memref<64xi32, #tpu.memory_space<hbm>>) dst(%dma_wait3A_194 : memref<64xi32, #tpu.memory_space<vmem>>)
    %dma_start3A_197 = arith.constant 3 : i32
    %dma_start3A_198 = arith.constant 8 : i32
    %dma_start3A_199 = arith.constant 256 : i32
    %dma_start3A_200 = arith.constant 0 : i32
    %dma_start3A_201 = tpu.memref_slice %arg7[%dma_start3A_199, %dma_start3A_200] : memref<320x128xf32, #tpu.memory_space<vmem>> -> memref<64x128xf32, #tpu.memory_space<vmem>>
    %dma_start3A_202 = arith.constant 0 : i32
    %dma_start3A_203 = tpu.memref_slice %arg6[%dma_start3A_197, %dma_start3A_202] : memref<4x64xi32, #tpu.memory_space<vmem>> -> memref<1x64xi32, #tpu.memory_space<vmem>>
    %dma_start3A_204 = tpu.memref_squeeze %dma_start3A_203 : memref<1x64xi32, #tpu.memory_space<vmem>> -> memref<64xi32, #tpu.memory_space<vmem>>
    %dma_start3A_205 = arith.constant 0 : i32
    %dma_start3A_206 = arith.constant 0 : i32
    %dma_start3A_207 = tpu.memref_slice %arg3[%dma_start3A_205, %dma_start3A_206] : memref<1000000x128xf32, #tpu.memory_space<hbm>> -> memref<1000000x128xf32, #tpu.memory_space<hbm>>
    %dma_start3A_208 = tpu.memref_slice %arg8[%dma_start3A_198] : memref<17x!tpu.dma_semaphore, #tpu.memory_space<semaphore_mem>> -> memref<1x!tpu.dma_semaphore, #tpu.memory_space<semaphore_mem>>
    %dma_start3A_209 = tpu.memref_squeeze %dma_start3A_208 : memref<1x!tpu.dma_semaphore, #tpu.memory_space<semaphore_mem>> -> memref<!tpu.dma_semaphore, #tpu.memory_space<semaphore_mem>>
    tpu.enqueue_indirect_dma source(%dma_start3A_207 : memref<1000000x128xf32, #tpu.memory_space<hbm>>) target(%dma_start3A_201 : memref<64x128xf32, #tpu.memory_space<vmem>>) offsets(%dma_start3A_204 : memref<64xi32, #tpu.memory_space<vmem>>) semaphore(%dma_start3A_209 : memref<!tpu.dma_semaphore, #tpu.memory_space<semaphore_mem>>) {add = true}
    %dma_wait3A_210 = arith.constant 0 : i32
    %dma_wait3A_211 = arith.constant 5 : i32
    %dma_wait3A_212 = arith.constant 64 : i32
    %dma_wait3A_213 = arith.constant 0 : i32
    %dma_wait3A_214 = tpu.memref_slice %arg7[%dma_wait3A_212, %dma_wait3A_213] : memref<320x128xf32, #tpu.memory_space<vmem>> -> memref<64x128xf32, #tpu.memory_space<vmem>>
    %dma_wait3A_215 = arith.constant 0 : i32
    %dma_wait3A_216 = tpu.memref_slice %arg6[%dma_wait3A_210, %dma_wait3A_215] : memref<4x64xi32, #tpu.memory_space<vmem>> -> memref<1x64xi32, #tpu.memory_space<vmem>>
    %dma_wait3A_217 = tpu.memref_squeeze %dma_wait3A_216 : memref<1x64xi32, #tpu.memory_space<vmem>> -> memref<64xi32, #tpu.memory_space<vmem>>
    %dma_wait3A_218 = arith.constant 0 : i32
    %dma_wait3A_219 = arith.constant 0 : i32
    %dma_wait3A_220 = tpu.memref_slice %arg3[%dma_wait3A_218, %dma_wait3A_219] : memref<1000000x128xf32, #tpu.memory_space<hbm>> -> memref<1000000x128xf32, #tpu.memory_space<hbm>>
    %dma_wait3A_221 = tpu.memref_slice %arg8[%dma_wait3A_211] : memref<17x!tpu.dma_semaphore, #tpu.memory_space<semaphore_mem>> -> memref<1x!tpu.dma_semaphore, #tpu.memory_space<semaphore_mem>>
    %dma_wait3A_222 = tpu.memref_squeeze %dma_wait3A_221 : memref<1x!tpu.dma_semaphore, #tpu.memory_space<semaphore_mem>> -> memref<!tpu.dma_semaphore, #tpu.memory_space<semaphore_mem>>
    tpu.wait_indirect_dma semaphore(%dma_wait3A_222 : memref<!tpu.dma_semaphore, #tpu.memory_space<semaphore_mem>>) src(%dma_wait3A_220 : memref<1000000x128xf32, #tpu.memory_space<hbm>>) dst(%dma_wait3A_214 : memref<64x128xf32, #tpu.memory_space<vmem>>)
    %scan3A_223 = arith.constant 0 : i32
    %scan3A_224 = arith.constant 0 : i32
    %scan3A_225 = arith.constant 64 : i32
    %scan3A_226 = arith.addi %scan3A_224, %scan3A_225 : i32
    %scan3A_227 = arith.constant 1 : i32
    scf.for %scan3A_514 = %scan3A_224 to %scan3A_226 step %scan3A_227  : i32 {
      %add3A_515 = arith.constant 64 : i32
      %add3A_516 = arith.addi %add3A_515, %scan3A_514 : i32
      %get3A = arith.index_cast %add3A_516 : i32 to index
      %get3A_517 = arith.constant 0 : index
      %get3A_518 = tpu.vector_load %arg7[%get3A, %get3A_517] {strides = array<i32>} : memref<320x128xf32, #tpu.memory_space<vmem>>, vector<1x16xf32>,
      %get3A_519 = vector.shape_cast %get3A_518 : vector<1x16xf32> to vector<16xf32>
      %add3A_520 = arith.constant 0 : i32
      %add3A_521 = arith.addi %add3A_520, %scan3A_514 : i32
      %get3A_522 = arith.index_cast %add3A_521 : i32 to index
      %get3A_523 = arith.constant 0 : index
      %get3A_524 = tpu.vector_load %arg7[%get3A_522, %get3A_523] {strides = array<i32>} : memref<320x128xf32, #tpu.memory_space<vmem>>, vector<1x16xf32>,
      %get3A_525 = vector.shape_cast %get3A_524 : vector<1x16xf32> to vector<16xf32>
      %add3A_526 = arith.addf %get3A_519, %get3A_525 : vector<16xf32>
      %swap3A = arith.index_cast %add3A_516 : i32 to index
      %swap3A_527 = arith.constant 0 : index
      %swap3A_528 = tpu.vector_load %arg7[%swap3A, %swap3A_527] {strides = array<i32>} : memref<320x128xf32, #tpu.memory_space<vmem>>, vector<1x16xf32>,
      %swap3A_529 = vector.shape_cast %swap3A_528 : vector<1x16xf32> to vector<16xf32>
      %swap3A_530 = vector.shape_cast %add3A_526 : vector<16xf32> to vector<1x16xf32>
      tpu.vector_store %arg7[%swap3A, %swap3A_527], %swap3A_530 {strides = array<i32>} : memref<320x128xf32, #tpu.memory_space<vmem>>, vector<1x16xf32>,
      %add3A_531 = arith.constant 64 : i32
      %add3A_532 = arith.addi %add3A_531, %scan3A_514 : i32
      %get3A_533 = arith.index_cast %add3A_532 : i32 to index
      %get3A_534 = arith.constant 16 : index
      %get3A_535 = tpu.vector_load %arg7[%get3A_533, %get3A_534] {strides = array<i32>} : memref<320x128xf32, #tpu.memory_space<vmem>>, vector<1x16xf32>,
      %get3A_536 = vector.shape_cast %get3A_535 : vector<1x16xf32> to vector<16xf32>
      %add3A_537 = arith.constant 0 : i32
      %add3A_538 = arith.addi %add3A_537, %scan3A_514 : i32
      %get3A_539 = arith.index_cast %add3A_538 : i32 to index
      %get3A_540 = arith.constant 16 : index
      %get3A_541 = tpu.vector_load %arg7[%get3A_539, %get3A_540] {strides = array<i32>} : memref<320x128xf32, #tpu.memory_space<vmem>>, vector<1x16xf32>,
      %get3A_542 = vector.shape_cast %get3A_541 : vector<1x16xf32> to vector<16xf32>
      %add3A_543 = arith.addf %get3A_536, %get3A_542 : vector<16xf32>
      %swap3A_544 = arith.index_cast %add3A_532 : i32 to index
      %swap3A_545 = arith.constant 16 : index
      %swap3A_546 = tpu.vector_load %arg7[%swap3A_544, %swap3A_545] {strides = array<i32>} : memref<320x128xf32, #tpu.memory_space<vmem>>, vector<1x16xf32>,
      %swap3A_547 = vector.shape_cast %swap3A_546 : vector<1x16xf32> to vector<16xf32>
      %swap3A_548 = vector.shape_cast %add3A_543 : vector<16xf32> to vector<1x16xf32>
      tpu.vector_store %arg7[%swap3A_544, %swap3A_545], %swap3A_548 {strides = array<i32>} : memref<320x128xf32, #tpu.memory_space<vmem>>, vector<1x16xf32>,
      %add3A_549 = arith.constant 64 : i32
      %add3A_550 = arith.addi %add3A_549, %scan3A_514 : i32
      %get3A_551 = arith.index_cast %add3A_550 : i32 to index
      %get3A_552 = arith.constant 32 : index
      %get3A_553 = tpu.vector_load %arg7[%get3A_551, %get3A_552] {strides = array<i32>} : memref<320x128xf32, #tpu.memory_space<vmem>>, vector<1x16xf32>,
      %get3A_554 = vector.shape_cast %get3A_553 : vector<1x16xf32> to vector<16xf32>
      %add3A_555 = arith.constant 0 : i32
      %add3A_556 = arith.addi %add3A_555, %scan3A_514 : i32
      %get3A_557 = arith.index_cast %add3A_556 : i32 to index
      %get3A_558 = arith.constant 32 : index
      %get3A_559 = tpu.vector_load %arg7[%get3A_557, %get3A_558] {strides = array<i32>} : memref<320x128xf32, #tpu.memory_space<vmem>>, vector<1x16xf32>,
      %get3A_560 = vector.shape_cast %get3A_559 : vector<1x16xf32> to vector<16xf32>
      %add3A_561 = arith.addf %get3A_554, %get3A_560 : vector<16xf32>
      %swap3A_562 = arith.index_cast %add3A_550 : i32 to index
      %swap3A_563 = arith.constant 32 : index
      %swap3A_564 = tpu.vector_load %arg7[%swap3A_562, %swap3A_563] {strides = array<i32>} : memref<320x128xf32, #tpu.memory_space<vmem>>, vector<1x16xf32>,
      %swap3A_565 = vector.shape_cast %swap3A_564 : vector<1x16xf32> to vector<16xf32>
      %swap3A_566 = vector.shape_cast %add3A_561 : vector<16xf32> to vector<1x16xf32>
      tpu.vector_store %arg7[%swap3A_562, %swap3A_563], %swap3A_566 {strides = array<i32>} : memref<320x128xf32, #tpu.memory_space<vmem>>, vector<1x16xf32>,
      %add3A_567 = arith.constant 64 : i32
      %add3A_568 = arith.addi %add3A_567, %scan3A_514 : i32
      %get3A_569 = arith.index_cast %add3A_568 : i32 to index
      %get3A_570 = arith.constant 48 : index
      %get3A_571 = tpu.vector_load %arg7[%get3A_569, %get3A_570] {strides = array<i32>} : memref<320x128xf32, #tpu.memory_space<vmem>>, vector<1x16xf32>,
      %get3A_572 = vector.shape_cast %get3A_571 : vector<1x16xf32> to vector<16xf32>
      %add3A_573 = arith.constant 0 : i32
      %add3A_574 = arith.addi %add3A_573, %scan3A_514 : i32
      %get3A_575 = arith.index_cast %add3A_574 : i32 to index
      %get3A_576 = arith.constant 48 : index
      %get3A_577 = tpu.vector_load %arg7[%get3A_575, %get3A_576] {strides = array<i32>} : memref<320x128xf32, #tpu.memory_space<vmem>>, vector<1x16xf32>,
      %get3A_578 = vector.shape_cast %get3A_577 : vector<1x16xf32> to vector<16xf32>
      %add3A_579 = arith.addf %get3A_572, %get3A_578 : vector<16xf32>
      %swap3A_580 = arith.index_cast %add3A_568 : i32 to index
      %swap3A_581 = arith.constant 48 : index
      %swap3A_582 = tpu.vector_load %arg7[%swap3A_580, %swap3A_581] {strides = array<i32>} : memref<320x128xf32, #tpu.memory_space<vmem>>, vector<1x16xf32>,
      %swap3A_583 = vector.shape_cast %swap3A_582 : vector<1x16xf32> to vector<16xf32>
      %swap3A_584 = vector.shape_cast %add3A_579 : vector<16xf32> to vector<1x16xf32>
      tpu.vector_store %arg7[%swap3A_580, %swap3A_581], %swap3A_584 {strides = array<i32>} : memref<320x128xf32, #tpu.memory_space<vmem>>, vector<1x16xf32>,
      %add3A_585 = arith.constant 64 : i32
      %add3A_586 = arith.addi %add3A_585, %scan3A_514 : i32
      %get3A_587 = arith.index_cast %add3A_586 : i32 to index
      %get3A_588 = arith.constant 64 : index
      %get3A_589 = tpu.vector_load %arg7[%get3A_587, %get3A_588] {strides = array<i32>} : memref<320x128xf32, #tpu.memory_space<vmem>>, vector<1x16xf32>,
      %get3A_590 = vector.shape_cast %get3A_589 : vector<1x16xf32> to vector<16xf32>
      %add3A_591 = arith.constant 0 : i32
      %add3A_592 = arith.addi %add3A_591, %scan3A_514 : i32
      %get3A_593 = arith.index_cast %add3A_592 : i32 to index
      %get3A_594 = arith.constant 64 : index
      %get3A_595 = tpu.vector_load %arg7[%get3A_593, %get3A_594] {strides = array<i32>} : memref<320x128xf32, #tpu.memory_space<vmem>>, vector<1x16xf32>,
      %get3A_596 = vector.shape_cast %get3A_595 : vector<1x16xf32> to vector<16xf32>
      %add3A_597 = arith.addf %get3A_590, %get3A_596 : vector<16xf32>
      %swap3A_598 = arith.index_cast %add3A_586 : i32 to index
      %swap3A_599 = arith.constant 64 : index
      %swap3A_600 = tpu.vector_load %arg7[%swap3A_598, %swap3A_599] {strides = array<i32>} : memref<320x128xf32, #tpu.memory_space<vmem>>, vector<1x16xf32>,
      %swap3A_601 = vector.shape_cast %swap3A_600 : vector<1x16xf32> to vector<16xf32>
      %swap3A_602 = vector.shape_cast %add3A_597 : vector<16xf32> to vector<1x16xf32>
      tpu.vector_store %arg7[%swap3A_598, %swap3A_599], %swap3A_602 {strides = array<i32>} : memref<320x128xf32, #tpu.memory_space<vmem>>, vector<1x16xf32>,
      %add3A_603 = arith.constant 64 : i32
      %add3A_604 = arith.addi %add3A_603, %scan3A_514 : i32
      %get3A_605 = arith.index_cast %add3A_604 : i32 to index
      %get3A_606 = arith.constant 80 : index
      %get3A_607 = tpu.vector_load %arg7[%get3A_605, %get3A_606] {strides = array<i32>} : memref<320x128xf32, #tpu.memory_space<vmem>>, vector<1x16xf32>,
      %get3A_608 = vector.shape_cast %get3A_607 : vector<1x16xf32> to vector<16xf32>
      %add3A_609 = arith.constant 0 : i32
      %add3A_610 = arith.addi %add3A_609, %scan3A_514 : i32
      %get3A_611 = arith.index_cast %add3A_610 : i32 to index
      %get3A_612 = arith.constant 80 : index
      %get3A_613 = tpu.vector_load %arg7[%get3A_611, %get3A_612] {strides = array<i32>} : memref<320x128xf32, #tpu.memory_space<vmem>>, vector<1x16xf32>,
      %get3A_614 = vector.shape_cast %get3A_613 : vector<1x16xf32> to vector<16xf32>
      %add3A_615 = arith.addf %get3A_608, %get3A_614 : vector<16xf32>
      %swap3A_616 = arith.index_cast %add3A_604 : i32 to index
      %swap3A_617 = arith.constant 80 : index
      %swap3A_618 = tpu.vector_load %arg7[%swap3A_616, %swap3A_617] {strides = array<i32>} : memref<320x128xf32, #tpu.memory_space<vmem>>, vector<1x16xf32>,
      %swap3A_619 = vector.shape_cast %swap3A_618 : vector<1x16xf32> to vector<16xf32>
      %swap3A_620 = vector.shape_cast %add3A_615 : vector<16xf32> to vector<1x16xf32>
      tpu.vector_store %arg7[%swap3A_616, %swap3A_617], %swap3A_620 {strides = array<i32>} : memref<320x128xf32, #tpu.memory_space<vmem>>, vector<1x16xf32>,
      %add3A_621 = arith.constant 64 : i32
      %add3A_622 = arith.addi %add3A_621, %scan3A_514 : i32
      %get3A_623 = arith.index_cast %add3A_622 : i32 to index
      %get3A_624 = arith.constant 96 : index
      %get3A_625 = tpu.vector_load %arg7[%get3A_623, %get3A_624] {strides = array<i32>} : memref<320x128xf32, #tpu.memory_space<vmem>>, vector<1x16xf32>,
      %get3A_626 = vector.shape_cast %get3A_625 : vector<1x16xf32> to vector<16xf32>
      %add3A_627 = arith.constant 0 : i32
      %add3A_628 = arith.addi %add3A_627, %scan3A_514 : i32
      %get3A_629 = arith.index_cast %add3A_628 : i32 to index
      %get3A_630 = arith.constant 96 : index
      %get3A_631 = tpu.vector_load %arg7[%get3A_629, %get3A_630] {strides = array<i32>} : memref<320x128xf32, #tpu.memory_space<vmem>>, vector<1x16xf32>,
      %get3A_632 = vector.shape_cast %get3A_631 : vector<1x16xf32> to vector<16xf32>
      %add3A_633 = arith.addf %get3A_626, %get3A_632 : vector<16xf32>
      %swap3A_634 = arith.index_cast %add3A_622 : i32 to index
      %swap3A_635 = arith.constant 96 : index
      %swap3A_636 = tpu.vector_load %arg7[%swap3A_634, %swap3A_635] {strides = array<i32>} : memref<320x128xf32, #tpu.memory_space<vmem>>, vector<1x16xf32>,
      %swap3A_637 = vector.shape_cast %swap3A_636 : vector<1x16xf32> to vector<16xf32>
      %swap3A_638 = vector.shape_cast %add3A_633 : vector<16xf32> to vector<1x16xf32>
      tpu.vector_store %arg7[%swap3A_634, %swap3A_635], %swap3A_638 {strides = array<i32>} : memref<320x128xf32, #tpu.memory_space<vmem>>, vector<1x16xf32>,
      %add3A_639 = arith.constant 64 : i32
      %add3A_640 = arith.addi %add3A_639, %scan3A_514 : i32
      %get3A_641 = arith.index_cast %add3A_640 : i32 to index
      %get3A_642 = arith.constant 112 : index
      %get3A_643 = tpu.vector_load %arg7[%get3A_641, %get3A_642] {strides = array<i32>} : memref<320x128xf32, #tpu.memory_space<vmem>>, vector<1x16xf32>,
      %get3A_644 = vector.shape_cast %get3A_643 : vector<1x16xf32> to vector<16xf32>
      %add3A_645 = arith.constant 0 : i32
      %add3A_646 = arith.addi %add3A_645, %scan3A_514 : i32
      %get3A_647 = arith.index_cast %add3A_646 : i32 to index
      %get3A_648 = arith.constant 112 : index
      %get3A_649 = tpu.vector_load %arg7[%get3A_647, %get3A_648] {strides = array<i32>} : memref<320x128xf32, #tpu.memory_space<vmem>>, vector<1x16xf32>,
      %get3A_650 = vector.shape_cast %get3A_649 : vector<1x16xf32> to vector<16xf32>
      %add3A_651 = arith.addf %get3A_644, %get3A_650 : vector<16xf32>
      %swap3A_652 = arith.index_cast %add3A_640 : i32 to index
      %swap3A_653 = arith.constant 112 : index
      %swap3A_654 = tpu.vector_load %arg7[%swap3A_652, %swap3A_653] {strides = array<i32>} : memref<320x128xf32, #tpu.memory_space<vmem>>, vector<1x16xf32>,
      %swap3A_655 = vector.shape_cast %swap3A_654 : vector<1x16xf32> to vector<16xf32>
      %swap3A_656 = vector.shape_cast %add3A_651 : vector<16xf32> to vector<1x16xf32>
      tpu.vector_store %arg7[%swap3A_652, %swap3A_653], %swap3A_656 {strides = array<i32>} : memref<320x128xf32, #tpu.memory_space<vmem>>, vector<1x16xf32>,
    }
    %scan3A_228 = arith.constant 64 : i32
    %add3A_229 = arith.constant 0 : i32
    %add3A_230 = arith.addi %add3A_229, %mul3A_2 : i32
    %add3A_231 = arith.constant 0 : i32
    %add3A_232 = arith.addi %add3A_230, %add3A_231 : i32
    %dma_start3A_233 = arith.constant 9 : i32
    %dma_start3A_234 = arith.constant 64 : i32
    %dma_start3A_235 = arith.constant 0 : i32
    %dma_start3A_236 = tpu.memref_slice %arg7[%dma_start3A_234, %dma_start3A_235] : memref<320x128xf32, #tpu.memory_space<vmem>> -> memref<32x128xf32, #tpu.memory_space<vmem>>
    %dma_start3A_237 = arith.constant 0 : i32
    %dma_start3A_238 = tpu.memref_slice %arg5[%add3A_232, %dma_start3A_237] : memref<8192x128xf32, #tpu.memory_space<hbm>> -> memref<32x128xf32, #tpu.memory_space<hbm>>
    %dma_start3A_239 = tpu.memref_slice %arg8[%dma_start3A_233] : memref<17x!tpu.dma_semaphore, #tpu.memory_space<semaphore_mem>> -> memref<1x!tpu.dma_semaphore, #tpu.memory_space<semaphore_mem>>
    %dma_start3A_240 = tpu.memref_squeeze %dma_start3A_239 : memref<1x!tpu.dma_semaphore, #tpu.memory_space<semaphore_mem>> -> memref<!tpu.dma_semaphore, #tpu.memory_space<semaphore_mem>>
    %dma_start3A_241 = arith.constant 0 : i32
    %dma_start3A_242 = tpu.memref_slice %arg5[%add3A_232, %dma_start3A_241] : memref<8192x128xf32, #tpu.memory_space<hbm>> -> memref<32x128xf32, #tpu.memory_space<hbm>>
    %dma_start3A_243 = arith.constant 64 : i32
    %dma_start3A_244 = arith.constant 0 : i32
    %dma_start3A_245 = tpu.memref_slice %arg7[%dma_start3A_243, %dma_start3A_244] : memref<320x128xf32, #tpu.memory_space<vmem>> -> memref<32x128xf32, #tpu.memory_space<vmem>>
    tpu.enqueue_dma source(%dma_start3A_245 : memref<32x128xf32, #tpu.memory_space<vmem>>) target(%dma_start3A_242 : memref<32x128xf32, #tpu.memory_space<hbm>>) target_semaphore(%dma_start3A_240 : memref<!tpu.dma_semaphore, #tpu.memory_space<semaphore_mem>>)
    %add3A_246 = arith.constant 0 : i32
    %add3A_247 = arith.addi %add3A_246, %mul3A_2 : i32
    %add3A_248 = arith.constant 32 : i32
    %add3A_249 = arith.addi %add3A_247, %add3A_248 : i32
    %dma_start3A_250 = arith.constant 10 : i32
    %dma_start3A_251 = arith.constant 96 : i32
    %dma_start3A_252 = arith.constant 0 : i32
    %dma_start3A_253 = tpu.memref_slice %arg7[%dma_start3A_251, %dma_start3A_252] : memref<320x128xf32, #tpu.memory_space<vmem>> -> memref<32x128xf32, #tpu.memory_space<vmem>>
    %dma_start3A_254 = arith.constant 0 : i32
    %dma_start3A_255 = tpu.memref_slice %arg5[%add3A_249, %dma_start3A_254] : memref<8192x128xf32, #tpu.memory_space<hbm>> -> memref<32x128xf32, #tpu.memory_space<hbm>>
    %dma_start3A_256 = tpu.memref_slice %arg8[%dma_start3A_250] : memref<17x!tpu.dma_semaphore, #tpu.memory_space<semaphore_mem>> -> memref<1x!tpu.dma_semaphore, #tpu.memory_space<semaphore_mem>>
    %dma_start3A_257 = tpu.memref_squeeze %dma_start3A_256 : memref<1x!tpu.dma_semaphore, #tpu.memory_space<semaphore_mem>> -> memref<!tpu.dma_semaphore, #tpu.memory_space<semaphore_mem>>
    %dma_start3A_258 = arith.constant 0 : i32
    %dma_start3A_259 = tpu.memref_slice %arg5[%add3A_249, %dma_start3A_258] : memref<8192x128xf32, #tpu.memory_space<hbm>> -> memref<32x128xf32, #tpu.memory_space<hbm>>
    %dma_start3A_260 = arith.constant 96 : i32
    %dma_start3A_261 = arith.constant 0 : i32
    %dma_start3A_262 = tpu.memref_slice %arg7[%dma_start3A_260, %dma_start3A_261] : memref<320x128xf32, #tpu.memory_space<vmem>> -> memref<32x128xf32, #tpu.memory_space<vmem>>
    tpu.enqueue_dma source(%dma_start3A_262 : memref<32x128xf32, #tpu.memory_space<vmem>>) target(%dma_start3A_259 : memref<32x128xf32, #tpu.memory_space<hbm>>) target_semaphore(%dma_start3A_257 : memref<!tpu.dma_semaphore, #tpu.memory_space<semaphore_mem>>)
    %dma_wait3A_263 = arith.constant 1 : i32
    %dma_wait3A_264 = arith.constant 6 : i32
    %dma_wait3A_265 = arith.constant 128 : i32
    %dma_wait3A_266 = arith.constant 0 : i32
    %dma_wait3A_267 = tpu.memref_slice %arg7[%dma_wait3A_265, %dma_wait3A_266] : memref<320x128xf32, #tpu.memory_space<vmem>> -> memref<64x128xf32, #tpu.memory_space<vmem>>
    %dma_wait3A_268 = arith.constant 0 : i32
    %dma_wait3A_269 = tpu.memref_slice %arg6[%dma_wait3A_263, %dma_wait3A_268] : memref<4x64xi32, #tpu.memory_space<vmem>> -> memref<1x64xi32, #tpu.memory_space<vmem>>
    %dma_wait3A_270 = tpu.memref_squeeze %dma_wait3A_269 : memref<1x64xi32, #tpu.memory_space<vmem>> -> memref<64xi32, #tpu.memory_space<vmem>>
    %dma_wait3A_271 = arith.constant 0 : i32
    %dma_wait3A_272 = arith.constant 0 : i32
    %dma_wait3A_273 = tpu.memref_slice %arg3[%dma_wait3A_271, %dma_wait3A_272] : memref<1000000x128xf32, #tpu.memory_space<hbm>> -> memref<1000000x128xf32, #tpu.memory_space<hbm>>
    %dma_wait3A_274 = tpu.memref_slice %arg8[%dma_wait3A_264] : memref<17x!tpu.dma_semaphore, #tpu.memory_space<semaphore_mem>> -> memref<1x!tpu.dma_semaphore, #tpu.memory_space<semaphore_mem>>
    %dma_wait3A_275 = tpu.memref_squeeze %dma_wait3A_274 : memref<1x!tpu.dma_semaphore, #tpu.memory_space<semaphore_mem>> -> memref<!tpu.dma_semaphore, #tpu.memory_space<semaphore_mem>>
    tpu.wait_indirect_dma semaphore(%dma_wait3A_275 : memref<!tpu.dma_semaphore, #tpu.memory_space<semaphore_mem>>) src(%dma_wait3A_273 : memref<1000000x128xf32, #tpu.memory_space<hbm>>) dst(%dma_wait3A_267 : memref<64x128xf32, #tpu.memory_space<vmem>>)
    %scan3A_276 = arith.constant 0 : i32
    %scan3A_277 = arith.constant 0 : i32
    %scan3A_278 = arith.constant 64 : i32
    %scan3A_279 = arith.addi %scan3A_277, %scan3A_278 : i32
    %scan3A_280 = arith.constant 1 : i32
    scf.for %scan3A_514 = %scan3A_277 to %scan3A_279 step %scan3A_280  : i32 {
      %add3A_515 = arith.constant 128 : i32
      %add3A_516 = arith.addi %add3A_515, %scan3A_514 : i32
      %get3A = arith.index_cast %add3A_516 : i32 to index
      %get3A_517 = arith.constant 0 : index
      %get3A_518 = tpu.vector_load %arg7[%get3A, %get3A_517] {strides = array<i32>} : memref<320x128xf32, #tpu.memory_space<vmem>>, vector<1x16xf32>,
      %get3A_519 = vector.shape_cast %get3A_518 : vector<1x16xf32> to vector<16xf32>
      %add3A_520 = arith.constant 0 : i32
      %add3A_521 = arith.addi %add3A_520, %scan3A_514 : i32
      %get3A_522 = arith.index_cast %add3A_521 : i32 to index
      %get3A_523 = arith.constant 0 : index
      %get3A_524 = tpu.vector_load %arg7[%get3A_522, %get3A_523] {strides = array<i32>} : memref<320x128xf32, #tpu.memory_space<vmem>>, vector<1x16xf32>,
      %get3A_525 = vector.shape_cast %get3A_524 : vector<1x16xf32> to vector<16xf32>
      %add3A_526 = arith.addf %get3A_519, %get3A_525 : vector<16xf32>
      %swap3A = arith.index_cast %add3A_516 : i32 to index
      %swap3A_527 = arith.constant 0 : index
      %swap3A_528 = tpu.vector_load %arg7[%swap3A, %swap3A_527] {strides = array<i32>} : memref<320x128xf32, #tpu.memory_space<vmem>>, vector<1x16xf32>,
      %swap3A_529 = vector.shape_cast %swap3A_528 : vector<1x16xf32> to vector<16xf32>
      %swap3A_530 = vector.shape_cast %add3A_526 : vector<16xf32> to vector<1x16xf32>
      tpu.vector_store %arg7[%swap3A, %swap3A_527], %swap3A_530 {strides = array<i32>} : memref<320x128xf32, #tpu.memory_space<vmem>>, vector<1x16xf32>,
      %add3A_531 = arith.constant 128 : i32
      %add3A_532 = arith.addi %add3A_531, %scan3A_514 : i32
      %get3A_533 = arith.index_cast %add3A_532 : i32 to index
      %get3A_534 = arith.constant 16 : index
      %get3A_535 = tpu.vector_load %arg7[%get3A_533, %get3A_534] {strides = array<i32>} : memref<320x128xf32, #tpu.memory_space<vmem>>, vector<1x16xf32>,
      %get3A_536 = vector.shape_cast %get3A_535 : vector<1x16xf32> to vector<16xf32>
      %add3A_537 = arith.constant 0 : i32
      %add3A_538 = arith.addi %add3A_537, %scan3A_514 : i32
      %get3A_539 = arith.index_cast %add3A_538 : i32 to index
      %get3A_540 = arith.constant 16 : index
      %get3A_541 = tpu.vector_load %arg7[%get3A_539, %get3A_540] {strides = array<i32>} : memref<320x128xf32, #tpu.memory_space<vmem>>, vector<1x16xf32>,
      %get3A_542 = vector.shape_cast %get3A_541 : vector<1x16xf32> to vector<16xf32>
      %add3A_543 = arith.addf %get3A_536, %get3A_542 : vector<16xf32>
      %swap3A_544 = arith.index_cast %add3A_532 : i32 to index
      %swap3A_545 = arith.constant 16 : index
      %swap3A_546 = tpu.vector_load %arg7[%swap3A_544, %swap3A_545] {strides = array<i32>} : memref<320x128xf32, #tpu.memory_space<vmem>>, vector<1x16xf32>,
      %swap3A_547 = vector.shape_cast %swap3A_546 : vector<1x16xf32> to vector<16xf32>
      %swap3A_548 = vector.shape_cast %add3A_543 : vector<16xf32> to vector<1x16xf32>
      tpu.vector_store %arg7[%swap3A_544, %swap3A_545], %swap3A_548 {strides = array<i32>} : memref<320x128xf32, #tpu.memory_space<vmem>>, vector<1x16xf32>,
      %add3A_549 = arith.constant 128 : i32
      %add3A_550 = arith.addi %add3A_549, %scan3A_514 : i32
      %get3A_551 = arith.index_cast %add3A_550 : i32 to index
      %get3A_552 = arith.constant 32 : index
      %get3A_553 = tpu.vector_load %arg7[%get3A_551, %get3A_552] {strides = array<i32>} : memref<320x128xf32, #tpu.memory_space<vmem>>, vector<1x16xf32>,
      %get3A_554 = vector.shape_cast %get3A_553 : vector<1x16xf32> to vector<16xf32>
      %add3A_555 = arith.constant 0 : i32
      %add3A_556 = arith.addi %add3A_555, %scan3A_514 : i32
      %get3A_557 = arith.index_cast %add3A_556 : i32 to index
      %get3A_558 = arith.constant 32 : index
      %get3A_559 = tpu.vector_load %arg7[%get3A_557, %get3A_558] {strides = array<i32>} : memref<320x128xf32, #tpu.memory_space<vmem>>, vector<1x16xf32>,
      %get3A_560 = vector.shape_cast %get3A_559 : vector<1x16xf32> to vector<16xf32>
      %add3A_561 = arith.addf %get3A_554, %get3A_560 : vector<16xf32>
      %swap3A_562 = arith.index_cast %add3A_550 : i32 to index
      %swap3A_563 = arith.constant 32 : index
      %swap3A_564 = tpu.vector_load %arg7[%swap3A_562, %swap3A_563] {strides = array<i32>} : memref<320x128xf32, #tpu.memory_space<vmem>>, vector<1x16xf32>,
      %swap3A_565 = vector.shape_cast %swap3A_564 : vector<1x16xf32> to vector<16xf32>
      %swap3A_566 = vector.shape_cast %add3A_561 : vector<16xf32> to vector<1x16xf32>
      tpu.vector_store %arg7[%swap3A_562, %swap3A_563], %swap3A_566 {strides = array<i32>} : memref<320x128xf32, #tpu.memory_space<vmem>>, vector<1x16xf32>,
      %add3A_567 = arith.constant 128 : i32
      %add3A_568 = arith.addi %add3A_567, %scan3A_514 : i32
      %get3A_569 = arith.index_cast %add3A_568 : i32 to index
      %get3A_570 = arith.constant 48 : index
      %get3A_571 = tpu.vector_load %arg7[%get3A_569, %get3A_570] {strides = array<i32>} : memref<320x128xf32, #tpu.memory_space<vmem>>, vector<1x16xf32>,
      %get3A_572 = vector.shape_cast %get3A_571 : vector<1x16xf32> to vector<16xf32>
      %add3A_573 = arith.constant 0 : i32
      %add3A_574 = arith.addi %add3A_573, %scan3A_514 : i32
      %get3A_575 = arith.index_cast %add3A_574 : i32 to index
      %get3A_576 = arith.constant 48 : index
      %get3A_577 = tpu.vector_load %arg7[%get3A_575, %get3A_576] {strides = array<i32>} : memref<320x128xf32, #tpu.memory_space<vmem>>, vector<1x16xf32>,
      %get3A_578 = vector.shape_cast %get3A_577 : vector<1x16xf32> to vector<16xf32>
      %add3A_579 = arith.addf %get3A_572, %get3A_578 : vector<16xf32>
      %swap3A_580 = arith.index_cast %add3A_568 : i32 to index
      %swap3A_581 = arith.constant 48 : index
      %swap3A_582 = tpu.vector_load %arg7[%swap3A_580, %swap3A_581] {strides = array<i32>} : memref<320x128xf32, #tpu.memory_space<vmem>>, vector<1x16xf32>,
      %swap3A_583 = vector.shape_cast %swap3A_582 : vector<1x16xf32> to vector<16xf32>
      %swap3A_584 = vector.shape_cast %add3A_579 : vector<16xf32> to vector<1x16xf32>
      tpu.vector_store %arg7[%swap3A_580, %swap3A_581], %swap3A_584 {strides = array<i32>} : memref<320x128xf32, #tpu.memory_space<vmem>>, vector<1x16xf32>,
      %add3A_585 = arith.constant 128 : i32
      %add3A_586 = arith.addi %add3A_585, %scan3A_514 : i32
      %get3A_587 = arith.index_cast %add3A_586 : i32 to index
      %get3A_588 = arith.constant 64 : index
      %get3A_589 = tpu.vector_load %arg7[%get3A_587, %get3A_588] {strides = array<i32>} : memref<320x128xf32, #tpu.memory_space<vmem>>, vector<1x16xf32>,
      %get3A_590 = vector.shape_cast %get3A_589 : vector<1x16xf32> to vector<16xf32>
      %add3A_591 = arith.constant 0 : i32
      %add3A_592 = arith.addi %add3A_591, %scan3A_514 : i32
      %get3A_593 = arith.index_cast %add3A_592 : i32 to index
      %get3A_594 = arith.constant 64 : index
      %get3A_595 = tpu.vector_load %arg7[%get3A_593, %get3A_594] {strides = array<i32>} : memref<320x128xf32, #tpu.memory_space<vmem>>, vector<1x16xf32>,
      %get3A_596 = vector.shape_cast %get3A_595 : vector<1x16xf32> to vector<16xf32>
      %add3A_597 = arith.addf %get3A_590, %get3A_596 : vector<16xf32>
      %swap3A_598 = arith.index_cast %add3A_586 : i32 to index
      %swap3A_599 = arith.constant 64 : index
      %swap3A_600 = tpu.vector_load %arg7[%swap3A_598, %swap3A_599] {strides = array<i32>} : memref<320x128xf32, #tpu.memory_space<vmem>>, vector<1x16xf32>,
      %swap3A_601 = vector.shape_cast %swap3A_600 : vector<1x16xf32> to vector<16xf32>
      %swap3A_602 = vector.shape_cast %add3A_597 : vector<16xf32> to vector<1x16xf32>
      tpu.vector_store %arg7[%swap3A_598, %swap3A_599], %swap3A_602 {strides = array<i32>} : memref<320x128xf32, #tpu.memory_space<vmem>>, vector<1x16xf32>,
      %add3A_603 = arith.constant 128 : i32
      %add3A_604 = arith.addi %add3A_603, %scan3A_514 : i32
      %get3A_605 = arith.index_cast %add3A_604 : i32 to index
      %get3A_606 = arith.constant 80 : index
      %get3A_607 = tpu.vector_load %arg7[%get3A_605, %get3A_606] {strides = array<i32>} : memref<320x128xf32, #tpu.memory_space<vmem>>, vector<1x16xf32>,
      %get3A_608 = vector.shape_cast %get3A_607 : vector<1x16xf32> to vector<16xf32>
      %add3A_609 = arith.constant 0 : i32
      %add3A_610 = arith.addi %add3A_609, %scan3A_514 : i32
      %get3A_611 = arith.index_cast %add3A_610 : i32 to index
      %get3A_612 = arith.constant 80 : index
      %get3A_613 = tpu.vector_load %arg7[%get3A_611, %get3A_612] {strides = array<i32>} : memref<320x128xf32, #tpu.memory_space<vmem>>, vector<1x16xf32>,
      %get3A_614 = vector.shape_cast %get3A_613 : vector<1x16xf32> to vector<16xf32>
      %add3A_615 = arith.addf %get3A_608, %get3A_614 : vector<16xf32>
      %swap3A_616 = arith.index_cast %add3A_604 : i32 to index
      %swap3A_617 = arith.constant 80 : index
      %swap3A_618 = tpu.vector_load %arg7[%swap3A_616, %swap3A_617] {strides = array<i32>} : memref<320x128xf32, #tpu.memory_space<vmem>>, vector<1x16xf32>,
      %swap3A_619 = vector.shape_cast %swap3A_618 : vector<1x16xf32> to vector<16xf32>
      %swap3A_620 = vector.shape_cast %add3A_615 : vector<16xf32> to vector<1x16xf32>
      tpu.vector_store %arg7[%swap3A_616, %swap3A_617], %swap3A_620 {strides = array<i32>} : memref<320x128xf32, #tpu.memory_space<vmem>>, vector<1x16xf32>,
      %add3A_621 = arith.constant 128 : i32
      %add3A_622 = arith.addi %add3A_621, %scan3A_514 : i32
      %get3A_623 = arith.index_cast %add3A_622 : i32 to index
      %get3A_624 = arith.constant 96 : index
      %get3A_625 = tpu.vector_load %arg7[%get3A_623, %get3A_624] {strides = array<i32>} : memref<320x128xf32, #tpu.memory_space<vmem>>, vector<1x16xf32>,
      %get3A_626 = vector.shape_cast %get3A_625 : vector<1x16xf32> to vector<16xf32>
      %add3A_627 = arith.constant 0 : i32
      %add3A_628 = arith.addi %add3A_627, %scan3A_514 : i32
      %get3A_629 = arith.index_cast %add3A_628 : i32 to index
      %get3A_630 = arith.constant 96 : index
      %get3A_631 = tpu.vector_load %arg7[%get3A_629, %get3A_630] {strides = array<i32>} : memref<320x128xf32, #tpu.memory_space<vmem>>, vector<1x16xf32>,
      %get3A_632 = vector.shape_cast %get3A_631 : vector<1x16xf32> to vector<16xf32>
      %add3A_633 = arith.addf %get3A_626, %get3A_632 : vector<16xf32>
      %swap3A_634 = arith.index_cast %add3A_622 : i32 to index
      %swap3A_635 = arith.constant 96 : index
      %swap3A_636 = tpu.vector_load %arg7[%swap3A_634, %swap3A_635] {strides = array<i32>} : memref<320x128xf32, #tpu.memory_space<vmem>>, vector<1x16xf32>,
      %swap3A_637 = vector.shape_cast %swap3A_636 : vector<1x16xf32> to vector<16xf32>
      %swap3A_638 = vector.shape_cast %add3A_633 : vector<16xf32> to vector<1x16xf32>
      tpu.vector_store %arg7[%swap3A_634, %swap3A_635], %swap3A_638 {strides = array<i32>} : memref<320x128xf32, #tpu.memory_space<vmem>>, vector<1x16xf32>,
      %add3A_639 = arith.constant 128 : i32
      %add3A_640 = arith.addi %add3A_639, %scan3A_514 : i32
      %get3A_641 = arith.index_cast %add3A_640 : i32 to index
      %get3A_642 = arith.constant 112 : index
      %get3A_643 = tpu.vector_load %arg7[%get3A_641, %get3A_642] {strides = array<i32>} : memref<320x128xf32, #tpu.memory_space<vmem>>, vector<1x16xf32>,
      %get3A_644 = vector.shape_cast %get3A_643 : vector<1x16xf32> to vector<16xf32>
      %add3A_645 = arith.constant 0 : i32
      %add3A_646 = arith.addi %add3A_645, %scan3A_514 : i32
      %get3A_647 = arith.index_cast %add3A_646 : i32 to index
      %get3A_648 = arith.constant 112 : index
      %get3A_649 = tpu.vector_load %arg7[%get3A_647, %get3A_648] {strides = array<i32>} : memref<320x128xf32, #tpu.memory_space<vmem>>, vector<1x16xf32>,
      %get3A_650 = vector.shape_cast %get3A_649 : vector<1x16xf32> to vector<16xf32>
      %add3A_651 = arith.addf %get3A_644, %get3A_650 : vector<16xf32>
      %swap3A_652 = arith.index_cast %add3A_640 : i32 to index
      %swap3A_653 = arith.constant 112 : index
      %swap3A_654 = tpu.vector_load %arg7[%swap3A_652, %swap3A_653] {strides = array<i32>} : memref<320x128xf32, #tpu.memory_space<vmem>>, vector<1x16xf32>,
      %swap3A_655 = vector.shape_cast %swap3A_654 : vector<1x16xf32> to vector<16xf32>
      %swap3A_656 = vector.shape_cast %add3A_651 : vector<16xf32> to vector<1x16xf32>
      tpu.vector_store %arg7[%swap3A_652, %swap3A_653], %swap3A_656 {strides = array<i32>} : memref<320x128xf32, #tpu.memory_space<vmem>>, vector<1x16xf32>,
    }
    %scan3A_281 = arith.constant 64 : i32
    %add3A_282 = arith.constant 2048 : i32
    %add3A_283 = arith.addi %add3A_282, %mul3A_2 : i32
    %add3A_284 = arith.constant 0 : i32
    %add3A_285 = arith.addi %add3A_283, %add3A_284 : i32
    %dma_start3A_286 = arith.constant 11 : i32
    %dma_start3A_287 = arith.constant 128 : i32
    %dma_start3A_288 = arith.constant 0 : i32
    %dma_start3A_289 = tpu.memref_slice %arg7[%dma_start3A_287, %dma_start3A_288] : memref<320x128xf32, #tpu.memory_space<vmem>> -> memref<32x128xf32, #tpu.memory_space<vmem>>
    %dma_start3A_290 = arith.constant 0 : i32
    %dma_start3A_291 = tpu.memref_slice %arg5[%add3A_285, %dma_start3A_290] : memref<8192x128xf32, #tpu.memory_space<hbm>> -> memref<32x128xf32, #tpu.memory_space<hbm>>
    %dma_start3A_292 = tpu.memref_slice %arg8[%dma_start3A_286] : memref<17x!tpu.dma_semaphore, #tpu.memory_space<semaphore_mem>> -> memref<1x!tpu.dma_semaphore, #tpu.memory_space<semaphore_mem>>
    %dma_start3A_293 = tpu.memref_squeeze %dma_start3A_292 : memref<1x!tpu.dma_semaphore, #tpu.memory_space<semaphore_mem>> -> memref<!tpu.dma_semaphore, #tpu.memory_space<semaphore_mem>>
    %dma_start3A_294 = arith.constant 0 : i32
    %dma_start3A_295 = tpu.memref_slice %arg5[%add3A_285, %dma_start3A_294] : memref<8192x128xf32, #tpu.memory_space<hbm>> -> memref<32x128xf32, #tpu.memory_space<hbm>>
    %dma_start3A_296 = arith.constant 128 : i32
    %dma_start3A_297 = arith.constant 0 : i32
    %dma_start3A_298 = tpu.memref_slice %arg7[%dma_start3A_296, %dma_start3A_297] : memref<320x128xf32, #tpu.memory_space<vmem>> -> memref<32x128xf32, #tpu.memory_space<vmem>>
    tpu.enqueue_dma source(%dma_start3A_298 : memref<32x128xf32, #tpu.memory_space<vmem>>) target(%dma_start3A_295 : memref<32x128xf32, #tpu.memory_space<hbm>>) target_semaphore(%dma_start3A_293 : memref<!tpu.dma_semaphore, #tpu.memory_space<semaphore_mem>>)
    %add3A_299 = arith.constant 2048 : i32
    %add3A_300 = arith.addi %add3A_299, %mul3A_2 : i32
    %add3A_301 = arith.constant 32 : i32
    %add3A_302 = arith.addi %add3A_300, %add3A_301 : i32
    %dma_start3A_303 = arith.constant 12 : i32
    %dma_start3A_304 = arith.constant 160 : i32
    %dma_start3A_305 = arith.constant 0 : i32
    %dma_start3A_306 = tpu.memref_slice %arg7[%dma_start3A_304, %dma_start3A_305] : memref<320x128xf32, #tpu.memory_space<vmem>> -> memref<32x128xf32, #tpu.memory_space<vmem>>
    %dma_start3A_307 = arith.constant 0 : i32
    %dma_start3A_308 = tpu.memref_slice %arg5[%add3A_302, %dma_start3A_307] : memref<8192x128xf32, #tpu.memory_space<hbm>> -> memref<32x128xf32, #tpu.memory_space<hbm>>
    %dma_start3A_309 = tpu.memref_slice %arg8[%dma_start3A_303] : memref<17x!tpu.dma_semaphore, #tpu.memory_space<semaphore_mem>> -> memref<1x!tpu.dma_semaphore, #tpu.memory_space<semaphore_mem>>
    %dma_start3A_310 = tpu.memref_squeeze %dma_start3A_309 : memref<1x!tpu.dma_semaphore, #tpu.memory_space<semaphore_mem>> -> memref<!tpu.dma_semaphore, #tpu.memory_space<semaphore_mem>>
    %dma_start3A_311 = arith.constant 0 : i32
    %dma_start3A_312 = tpu.memref_slice %arg5[%add3A_302, %dma_start3A_311] : memref<8192x128xf32, #tpu.memory_space<hbm>> -> memref<32x128xf32, #tpu.memory_space<hbm>>
    %dma_start3A_313 = arith.constant 160 : i32
    %dma_start3A_314 = arith.constant 0 : i32
    %dma_start3A_315 = tpu.memref_slice %arg7[%dma_start3A_313, %dma_start3A_314] : memref<320x128xf32, #tpu.memory_space<vmem>> -> memref<32x128xf32, #tpu.memory_space<vmem>>
    tpu.enqueue_dma source(%dma_start3A_315 : memref<32x128xf32, #tpu.memory_space<vmem>>) target(%dma_start3A_312 : memref<32x128xf32, #tpu.memory_space<hbm>>) target_semaphore(%dma_start3A_310 : memref<!tpu.dma_semaphore, #tpu.memory_space<semaphore_mem>>)
    %dma_wait3A_316 = arith.constant 2 : i32
    %dma_wait3A_317 = arith.constant 7 : i32
    %dma_wait3A_318 = arith.constant 192 : i32
    %dma_wait3A_319 = arith.constant 0 : i32
    %dma_wait3A_320 = tpu.memref_slice %arg7[%dma_wait3A_318, %dma_wait3A_319] : memref<320x128xf32, #tpu.memory_space<vmem>> -> memref<64x128xf32, #tpu.memory_space<vmem>>
    %dma_wait3A_321 = arith.constant 0 : i32
    %dma_wait3A_322 = tpu.memref_slice %arg6[%dma_wait3A_316, %dma_wait3A_321] : memref<4x64xi32, #tpu.memory_space<vmem>> -> memref<1x64xi32, #tpu.memory_space<vmem>>
    %dma_wait3A_323 = tpu.memref_squeeze %dma_wait3A_322 : memref<1x64xi32, #tpu.memory_space<vmem>> -> memref<64xi32, #tpu.memory_space<vmem>>
    %dma_wait3A_324 = arith.constant 0 : i32
    %dma_wait3A_325 = arith.constant 0 : i32
    %dma_wait3A_326 = tpu.memref_slice %arg3[%dma_wait3A_324, %dma_wait3A_325] : memref<1000000x128xf32, #tpu.memory_space<hbm>> -> memref<1000000x128xf32, #tpu.memory_space<hbm>>
    %dma_wait3A_327 = tpu.memref_slice %arg8[%dma_wait3A_317] : memref<17x!tpu.dma_semaphore, #tpu.memory_space<semaphore_mem>> -> memref<1x!tpu.dma_semaphore, #tpu.memory_space<semaphore_mem>>
    %dma_wait3A_328 = tpu.memref_squeeze %dma_wait3A_327 : memref<1x!tpu.dma_semaphore, #tpu.memory_space<semaphore_mem>> -> memref<!tpu.dma_semaphore, #tpu.memory_space<semaphore_mem>>
    tpu.wait_indirect_dma semaphore(%dma_wait3A_328 : memref<!tpu.dma_semaphore, #tpu.memory_space<semaphore_mem>>) src(%dma_wait3A_326 : memref<1000000x128xf32, #tpu.memory_space<hbm>>) dst(%dma_wait3A_320 : memref<64x128xf32, #tpu.memory_space<vmem>>)
    %add3A_329 = arith.constant 4096 : i32
    %add3A_330 = arith.addi %add3A_329, %mul3A_2 : i32
    %add3A_331 = arith.constant 0 : i32
    %add3A_332 = arith.addi %add3A_330, %add3A_331 : i32
    %dma_start3A_333 = arith.constant 13 : i32
    %dma_start3A_334 = arith.constant 192 : i32
    %dma_start3A_335 = arith.constant 0 : i32
    %dma_start3A_336 = tpu.memref_slice %arg7[%dma_start3A_334, %dma_start3A_335] : memref<320x128xf32, #tpu.memory_space<vmem>> -> memref<32x128xf32, #tpu.memory_space<vmem>>
    %dma_start3A_337 = arith.constant 0 : i32
    %dma_start3A_338 = tpu.memref_slice %arg5[%add3A_332, %dma_start3A_337] : memref<8192x128xf32, #tpu.memory_space<hbm>> -> memref<32x128xf32, #tpu.memory_space<hbm>>
    %dma_start3A_339 = tpu.memref_slice %arg8[%dma_start3A_333] : memref<17x!tpu.dma_semaphore, #tpu.memory_space<semaphore_mem>> -> memref<1x!tpu.dma_semaphore, #tpu.memory_space<semaphore_mem>>
    %dma_start3A_340 = tpu.memref_squeeze %dma_start3A_339 : memref<1x!tpu.dma_semaphore, #tpu.memory_space<semaphore_mem>> -> memref<!tpu.dma_semaphore, #tpu.memory_space<semaphore_mem>>
    %dma_start3A_341 = arith.constant 0 : i32
    %dma_start3A_342 = tpu.memref_slice %arg5[%add3A_332, %dma_start3A_341] : memref<8192x128xf32, #tpu.memory_space<hbm>> -> memref<32x128xf32, #tpu.memory_space<hbm>>
    %dma_start3A_343 = arith.constant 192 : i32
    %dma_start3A_344 = arith.constant 0 : i32
    %dma_start3A_345 = tpu.memref_slice %arg7[%dma_start3A_343, %dma_start3A_344] : memref<320x128xf32, #tpu.memory_space<vmem>> -> memref<32x128xf32, #tpu.memory_space<vmem>>
    tpu.enqueue_dma source(%dma_start3A_345 : memref<32x128xf32, #tpu.memory_space<vmem>>) target(%dma_start3A_342 : memref<32x128xf32, #tpu.memory_space<hbm>>) target_semaphore(%dma_start3A_340 : memref<!tpu.dma_semaphore, #tpu.memory_space<semaphore_mem>>)
    %add3A_346 = arith.constant 4096 : i32
    %add3A_347 = arith.addi %add3A_346, %mul3A_2 : i32
    %add3A_348 = arith.constant 32 : i32
    %add3A_349 = arith.addi %add3A_347, %add3A_348 : i32
    %dma_start3A_350 = arith.constant 14 : i32
    %dma_start3A_351 = arith.constant 224 : i32
    %dma_start3A_352 = arith.constant 0 : i32
    %dma_start3A_353 = tpu.memref_slice %arg7[%dma_start3A_351, %dma_start3A_352] : memref<320x128xf32, #tpu.memory_space<vmem>> -> memref<32x128xf32, #tpu.memory_space<vmem>>
    %dma_start3A_354 = arith.constant 0 : i32
    %dma_start3A_355 = tpu.memref_slice %arg5[%add3A_349, %dma_start3A_354] : memref<8192x128xf32, #tpu.memory_space<hbm>> -> memref<32x128xf32, #tpu.memory_space<hbm>>
    %dma_start3A_356 = tpu.memref_slice %arg8[%dma_start3A_350] : memref<17x!tpu.dma_semaphore, #tpu.memory_space<semaphore_mem>> -> memref<1x!tpu.dma_semaphore, #tpu.memory_space<semaphore_mem>>
    %dma_start3A_357 = tpu.memref_squeeze %dma_start3A_356 : memref<1x!tpu.dma_semaphore, #tpu.memory_space<semaphore_mem>> -> memref<!tpu.dma_semaphore, #tpu.memory_space<semaphore_mem>>
    %dma_start3A_358 = arith.constant 0 : i32
    %dma_start3A_359 = tpu.memref_slice %arg5[%add3A_349, %dma_start3A_358] : memref<8192x128xf32, #tpu.memory_space<hbm>> -> memref<32x128xf32, #tpu.memory_space<hbm>>
    %dma_start3A_360 = arith.constant 224 : i32
    %dma_start3A_361 = arith.constant 0 : i32
    %dma_start3A_362 = tpu.memref_slice %arg7[%dma_start3A_360, %dma_start3A_361] : memref<320x128xf32, #tpu.memory_space<vmem>> -> memref<32x128xf32, #tpu.memory_space<vmem>>
    tpu.enqueue_dma source(%dma_start3A_362 : memref<32x128xf32, #tpu.memory_space<vmem>>) target(%dma_start3A_359 : memref<32x128xf32, #tpu.memory_space<hbm>>) target_semaphore(%dma_start3A_357 : memref<!tpu.dma_semaphore, #tpu.memory_space<semaphore_mem>>)
    %dma_wait3A_363 = arith.constant 3 : i32
    %dma_wait3A_364 = arith.constant 8 : i32
    %dma_wait3A_365 = arith.constant 256 : i32
    %dma_wait3A_366 = arith.constant 0 : i32
    %dma_wait3A_367 = tpu.memref_slice %arg7[%dma_wait3A_365, %dma_wait3A_366] : memref<320x128xf32, #tpu.memory_space<vmem>> -> memref<64x128xf32, #tpu.memory_space<vmem>>
    %dma_wait3A_368 = arith.constant 0 : i32
    %dma_wait3A_369 = tpu.memref_slice %arg6[%dma_wait3A_363, %dma_wait3A_368] : memref<4x64xi32, #tpu.memory_space<vmem>> -> memref<1x64xi32, #tpu.memory_space<vmem>>
    %dma_wait3A_370 = tpu.memref_squeeze %dma_wait3A_369 : memref<1x64xi32, #tpu.memory_space<vmem>> -> memref<64xi32, #tpu.memory_space<vmem>>
    %dma_wait3A_371 = arith.constant 0 : i32
    %dma_wait3A_372 = arith.constant 0 : i32
    %dma_wait3A_373 = tpu.memref_slice %arg3[%dma_wait3A_371, %dma_wait3A_372] : memref<1000000x128xf32, #tpu.memory_space<hbm>> -> memref<1000000x128xf32, #tpu.memory_space<hbm>>
    %dma_wait3A_374 = tpu.memref_slice %arg8[%dma_wait3A_364] : memref<17x!tpu.dma_semaphore, #tpu.memory_space<semaphore_mem>> -> memref<1x!tpu.dma_semaphore, #tpu.memory_space<semaphore_mem>>
    %dma_wait3A_375 = tpu.memref_squeeze %dma_wait3A_374 : memref<1x!tpu.dma_semaphore, #tpu.memory_space<semaphore_mem>> -> memref<!tpu.dma_semaphore, #tpu.memory_space<semaphore_mem>>
    tpu.wait_indirect_dma semaphore(%dma_wait3A_375 : memref<!tpu.dma_semaphore, #tpu.memory_space<semaphore_mem>>) src(%dma_wait3A_373 : memref<1000000x128xf32, #tpu.memory_space<hbm>>) dst(%dma_wait3A_367 : memref<64x128xf32, #tpu.memory_space<vmem>>)
    %add3A_376 = arith.constant 6144 : i32
    %add3A_377 = arith.addi %add3A_376, %mul3A_2 : i32
    %add3A_378 = arith.constant 0 : i32
    %add3A_379 = arith.addi %add3A_377, %add3A_378 : i32
    %dma_start3A_380 = arith.constant 15 : i32
    %dma_start3A_381 = arith.constant 256 : i32
    %dma_start3A_382 = arith.constant 0 : i32
    %dma_start3A_383 = tpu.memref_slice %arg7[%dma_start3A_381, %dma_start3A_382] : memref<320x128xf32, #tpu.memory_space<vmem>> -> memref<32x128xf32, #tpu.memory_space<vmem>>
    %dma_start3A_384 = arith.constant 0 : i32
    %dma_start3A_385 = tpu.memref_slice %arg5[%add3A_379, %dma_start3A_384] : memref<8192x128xf32, #tpu.memory_space<hbm>> -> memref<32x128xf32, #tpu.memory_space<hbm>>
    %dma_start3A_386 = tpu.memref_slice %arg8[%dma_start3A_380] : memref<17x!tpu.dma_semaphore, #tpu.memory_space<semaphore_mem>> -> memref<1x!tpu.dma_semaphore, #tpu.memory_space<semaphore_mem>>
    %dma_start3A_387 = tpu.memref_squeeze %dma_start3A_386 : memref<1x!tpu.dma_semaphore, #tpu.memory_space<semaphore_mem>> -> memref<!tpu.dma_semaphore, #tpu.memory_space<semaphore_mem>>
    %dma_start3A_388 = arith.constant 0 : i32
    %dma_start3A_389 = tpu.memref_slice %arg5[%add3A_379, %dma_start3A_388] : memref<8192x128xf32, #tpu.memory_space<hbm>> -> memref<32x128xf32, #tpu.memory_space<hbm>>
    %dma_start3A_390 = arith.constant 256 : i32
    %dma_start3A_391 = arith.constant 0 : i32
    %dma_start3A_392 = tpu.memref_slice %arg7[%dma_start3A_390, %dma_start3A_391] : memref<320x128xf32, #tpu.memory_space<vmem>> -> memref<32x128xf32, #tpu.memory_space<vmem>>
    tpu.enqueue_dma source(%dma_start3A_392 : memref<32x128xf32, #tpu.memory_space<vmem>>) target(%dma_start3A_389 : memref<32x128xf32, #tpu.memory_space<hbm>>) target_semaphore(%dma_start3A_387 : memref<!tpu.dma_semaphore, #tpu.memory_space<semaphore_mem>>)
    %add3A_393 = arith.constant 6144 : i32
    %add3A_394 = arith.addi %add3A_393, %mul3A_2 : i32
    %add3A_395 = arith.constant 32 : i32
    %add3A_396 = arith.addi %add3A_394, %add3A_395 : i32
    %dma_start3A_397 = arith.constant 16 : i32
    %dma_start3A_398 = arith.constant 288 : i32
    %dma_start3A_399 = arith.constant 0 : i32
    %dma_start3A_400 = tpu.memref_slice %arg7[%dma_start3A_398, %dma_start3A_399] : memref<320x128xf32, #tpu.memory_space<vmem>> -> memref<32x128xf32, #tpu.memory_space<vmem>>
    %dma_start3A_401 = arith.constant 0 : i32
    %dma_start3A_402 = tpu.memref_slice %arg5[%add3A_396, %dma_start3A_401] : memref<8192x128xf32, #tpu.memory_space<hbm>> -> memref<32x128xf32, #tpu.memory_space<hbm>>
    %dma_start3A_403 = tpu.memref_slice %arg8[%dma_start3A_397] : memref<17x!tpu.dma_semaphore, #tpu.memory_space<semaphore_mem>> -> memref<1x!tpu.dma_semaphore, #tpu.memory_space<semaphore_mem>>
    %dma_start3A_404 = tpu.memref_squeeze %dma_start3A_403 : memref<1x!tpu.dma_semaphore, #tpu.memory_space<semaphore_mem>> -> memref<!tpu.dma_semaphore, #tpu.memory_space<semaphore_mem>>
    %dma_start3A_405 = arith.constant 0 : i32
    %dma_start3A_406 = tpu.memref_slice %arg5[%add3A_396, %dma_start3A_405] : memref<8192x128xf32, #tpu.memory_space<hbm>> -> memref<32x128xf32, #tpu.memory_space<hbm>>
    %dma_start3A_407 = arith.constant 288 : i32
    %dma_start3A_408 = arith.constant 0 : i32
    %dma_start3A_409 = tpu.memref_slice %arg7[%dma_start3A_407, %dma_start3A_408] : memref<320x128xf32, #tpu.memory_space<vmem>> -> memref<32x128xf32, #tpu.memory_space<vmem>>
    tpu.enqueue_dma source(%dma_start3A_409 : memref<32x128xf32, #tpu.memory_space<vmem>>) target(%dma_start3A_406 : memref<32x128xf32, #tpu.memory_space<hbm>>) target_semaphore(%dma_start3A_404 : memref<!tpu.dma_semaphore, #tpu.memory_space<semaphore_mem>>)
    %dma_wait3A_410 = arith.constant 9 : i32
    %dma_wait3A_411 = arith.constant 64 : i32
    %dma_wait3A_412 = arith.constant 0 : i32
    %dma_wait3A_413 = tpu.memref_slice %arg7[%dma_wait3A_411, %dma_wait3A_412] : memref<320x128xf32, #tpu.memory_space<vmem>> -> memref<32x128xf32, #tpu.memory_space<vmem>>
    %dma_wait3A_414 = arith.constant 0 : i32
    %dma_wait3A_415 = tpu.memref_slice %arg5[%add3A_232, %dma_wait3A_414] : memref<8192x128xf32, #tpu.memory_space<hbm>> -> memref<32x128xf32, #tpu.memory_space<hbm>>
    %dma_wait3A_416 = tpu.memref_slice %arg8[%dma_wait3A_410] : memref<17x!tpu.dma_semaphore, #tpu.memory_space<semaphore_mem>> -> memref<1x!tpu.dma_semaphore, #tpu.memory_space<semaphore_mem>>
    %dma_wait3A_417 = tpu.memref_squeeze %dma_wait3A_416 : memref<1x!tpu.dma_semaphore, #tpu.memory_space<semaphore_mem>> -> memref<!tpu.dma_semaphore, #tpu.memory_space<semaphore_mem>>
    %dma_wait3A_418 = arith.constant 0 : i32
    %dma_wait3A_419 = tpu.memref_slice %arg5[%add3A_232, %dma_wait3A_418] : memref<8192x128xf32, #tpu.memory_space<hbm>> -> memref<32x128xf32, #tpu.memory_space<hbm>>
    %dma_wait3A_420 = arith.constant 64 : i32
    %dma_wait3A_421 = arith.constant 0 : i32
    %dma_wait3A_422 = tpu.memref_slice %arg7[%dma_wait3A_420, %dma_wait3A_421] : memref<320x128xf32, #tpu.memory_space<vmem>> -> memref<32x128xf32, #tpu.memory_space<vmem>>
    tpu.wait_dma2 semaphore(%dma_wait3A_417 : memref<!tpu.dma_semaphore, #tpu.memory_space<semaphore_mem>>) src(%dma_wait3A_422 : memref<32x128xf32, #tpu.memory_space<vmem>>) dst(%dma_wait3A_419 : memref<32x128xf32, #tpu.memory_space<hbm>>)
    %dma_wait3A_423 = arith.constant 10 : i32
    %dma_wait3A_424 = arith.constant 96 : i32
    %dma_wait3A_425 = arith.constant 0 : i32
    %dma_wait3A_426 = tpu.memref_slice %arg7[%dma_wait3A_424, %dma_wait3A_425] : memref<320x128xf32, #tpu.memory_space<vmem>> -> memref<32x128xf32, #tpu.memory_space<vmem>>
    %dma_wait3A_427 = arith.constant 0 : i32
    %dma_wait3A_428 = tpu.memref_slice %arg5[%add3A_249, %dma_wait3A_427] : memref<8192x128xf32, #tpu.memory_space<hbm>> -> memref<32x128xf32, #tpu.memory_space<hbm>>
    %dma_wait3A_429 = tpu.memref_slice %arg8[%dma_wait3A_423] : memref<17x!tpu.dma_semaphore, #tpu.memory_space<semaphore_mem>> -> memref<1x!tpu.dma_semaphore, #tpu.memory_space<semaphore_mem>>
    %dma_wait3A_430 = tpu.memref_squeeze %dma_wait3A_429 : memref<1x!tpu.dma_semaphore, #tpu.memory_space<semaphore_mem>> -> memref<!tpu.dma_semaphore, #tpu.memory_space<semaphore_mem>>
    %dma_wait3A_431 = arith.constant 0 : i32
    %dma_wait3A_432 = tpu.memref_slice %arg5[%add3A_249, %dma_wait3A_431] : memref<8192x128xf32, #tpu.memory_space<hbm>> -> memref<32x128xf32, #tpu.memory_space<hbm>>
    %dma_wait3A_433 = arith.constant 96 : i32
    %dma_wait3A_434 = arith.constant 0 : i32
    %dma_wait3A_435 = tpu.memref_slice %arg7[%dma_wait3A_433, %dma_wait3A_434] : memref<320x128xf32, #tpu.memory_space<vmem>> -> memref<32x128xf32, #tpu.memory_space<vmem>>
    tpu.wait_dma2 semaphore(%dma_wait3A_430 : memref<!tpu.dma_semaphore, #tpu.memory_space<semaphore_mem>>) src(%dma_wait3A_435 : memref<32x128xf32, #tpu.memory_space<vmem>>) dst(%dma_wait3A_432 : memref<32x128xf32, #tpu.memory_space<hbm>>)
    %dma_wait3A_436 = arith.constant 11 : i32
    %dma_wait3A_437 = arith.constant 128 : i32
    %dma_wait3A_438 = arith.constant 0 : i32
    %dma_wait3A_439 = tpu.memref_slice %arg7[%dma_wait3A_437, %dma_wait3A_438] : memref<320x128xf32, #tpu.memory_space<vmem>> -> memref<32x128xf32, #tpu.memory_space<vmem>>
    %dma_wait3A_440 = arith.constant 0 : i32
    %dma_wait3A_441 = tpu.memref_slice %arg5[%add3A_285, %dma_wait3A_440] : memref<8192x128xf32, #tpu.memory_space<hbm>> -> memref<32x128xf32, #tpu.memory_space<hbm>>
    %dma_wait3A_442 = tpu.memref_slice %arg8[%dma_wait3A_436] : memref<17x!tpu.dma_semaphore, #tpu.memory_space<semaphore_mem>> -> memref<1x!tpu.dma_semaphore, #tpu.memory_space<semaphore_mem>>
    %dma_wait3A_443 = tpu.memref_squeeze %dma_wait3A_442 : memref<1x!tpu.dma_semaphore, #tpu.memory_space<semaphore_mem>> -> memref<!tpu.dma_semaphore, #tpu.memory_space<semaphore_mem>>
    %dma_wait3A_444 = arith.constant 0 : i32
    %dma_wait3A_445 = tpu.memref_slice %arg5[%add3A_285, %dma_wait3A_444] : memref<8192x128xf32, #tpu.memory_space<hbm>> -> memref<32x128xf32, #tpu.memory_space<hbm>>
    %dma_wait3A_446 = arith.constant 128 : i32
    %dma_wait3A_447 = arith.constant 0 : i32
    %dma_wait3A_448 = tpu.memref_slice %arg7[%dma_wait3A_446, %dma_wait3A_447] : memref<320x128xf32, #tpu.memory_space<vmem>> -> memref<32x128xf32, #tpu.memory_space<vmem>>
    tpu.wait_dma2 semaphore(%dma_wait3A_443 : memref<!tpu.dma_semaphore, #tpu.memory_space<semaphore_mem>>) src(%dma_wait3A_448 : memref<32x128xf32, #tpu.memory_space<vmem>>) dst(%dma_wait3A_445 : memref<32x128xf32, #tpu.memory_space<hbm>>)
    %dma_wait3A_449 = arith.constant 12 : i32
    %dma_wait3A_450 = arith.constant 160 : i32
    %dma_wait3A_451 = arith.constant 0 : i32
    %dma_wait3A_452 = tpu.memref_slice %arg7[%dma_wait3A_450, %dma_wait3A_451] : memref<320x128xf32, #tpu.memory_space<vmem>> -> memref<32x128xf32, #tpu.memory_space<vmem>>
    %dma_wait3A_453 = arith.constant 0 : i32
    %dma_wait3A_454 = tpu.memref_slice %arg5[%add3A_302, %dma_wait3A_453] : memref<8192x128xf32, #tpu.memory_space<hbm>> -> memref<32x128xf32, #tpu.memory_space<hbm>>
    %dma_wait3A_455 = tpu.memref_slice %arg8[%dma_wait3A_449] : memref<17x!tpu.dma_semaphore, #tpu.memory_space<semaphore_mem>> -> memref<1x!tpu.dma_semaphore, #tpu.memory_space<semaphore_mem>>
    %dma_wait3A_456 = tpu.memref_squeeze %dma_wait3A_455 : memref<1x!tpu.dma_semaphore, #tpu.memory_space<semaphore_mem>> -> memref<!tpu.dma_semaphore, #tpu.memory_space<semaphore_mem>>
    %dma_wait3A_457 = arith.constant 0 : i32
    %dma_wait3A_458 = tpu.memref_slice %arg5[%add3A_302, %dma_wait3A_457] : memref<8192x128xf32, #tpu.memory_space<hbm>> -> memref<32x128xf32, #tpu.memory_space<hbm>>
    %dma_wait3A_459 = arith.constant 160 : i32
    %dma_wait3A_460 = arith.constant 0 : i32
    %dma_wait3A_461 = tpu.memref_slice %arg7[%dma_wait3A_459, %dma_wait3A_460] : memref<320x128xf32, #tpu.memory_space<vmem>> -> memref<32x128xf32, #tpu.memory_space<vmem>>
    tpu.wait_dma2 semaphore(%dma_wait3A_456 : memref<!tpu.dma_semaphore, #tpu.memory_space<semaphore_mem>>) src(%dma_wait3A_461 : memref<32x128xf32, #tpu.memory_space<vmem>>) dst(%dma_wait3A_458 : memref<32x128xf32, #tpu.memory_space<hbm>>)
    %dma_wait3A_462 = arith.constant 13 : i32
    %dma_wait3A_463 = arith.constant 192 : i32
    %dma_wait3A_464 = arith.constant 0 : i32
    %dma_wait3A_465 = tpu.memref_slice %arg7[%dma_wait3A_463, %dma_wait3A_464] : memref<320x128xf32, #tpu.memory_space<vmem>> -> memref<32x128xf32, #tpu.memory_space<vmem>>
    %dma_wait3A_466 = arith.constant 0 : i32
    %dma_wait3A_467 = tpu.memref_slice %arg5[%add3A_332, %dma_wait3A_466] : memref<8192x128xf32, #tpu.memory_space<hbm>> -> memref<32x128xf32, #tpu.memory_space<hbm>>
    %dma_wait3A_468 = tpu.memref_slice %arg8[%dma_wait3A_462] : memref<17x!tpu.dma_semaphore, #tpu.memory_space<semaphore_mem>> -> memref<1x!tpu.dma_semaphore, #tpu.memory_space<semaphore_mem>>
    %dma_wait3A_469 = tpu.memref_squeeze %dma_wait3A_468 : memref<1x!tpu.dma_semaphore, #tpu.memory_space<semaphore_mem>> -> memref<!tpu.dma_semaphore, #tpu.memory_space<semaphore_mem>>
    %dma_wait3A_470 = arith.constant 0 : i32
    %dma_wait3A_471 = tpu.memref_slice %arg5[%add3A_332, %dma_wait3A_470] : memref<8192x128xf32, #tpu.memory_space<hbm>> -> memref<32x128xf32, #tpu.memory_space<hbm>>
    %dma_wait3A_472 = arith.constant 192 : i32
    %dma_wait3A_473 = arith.constant 0 : i32
    %dma_wait3A_474 = tpu.memref_slice %arg7[%dma_wait3A_472, %dma_wait3A_473] : memref<320x128xf32, #tpu.memory_space<vmem>> -> memref<32x128xf32, #tpu.memory_space<vmem>>
    tpu.wait_dma2 semaphore(%dma_wait3A_469 : memref<!tpu.dma_semaphore, #tpu.memory_space<semaphore_mem>>) src(%dma_wait3A_474 : memref<32x128xf32, #tpu.memory_space<vmem>>) dst(%dma_wait3A_471 : memref<32x128xf32, #tpu.memory_space<hbm>>)
    %dma_wait3A_475 = arith.constant 14 : i32
    %dma_wait3A_476 = arith.constant 224 : i32
    %dma_wait3A_477 = arith.constant 0 : i32
    %dma_wait3A_478 = tpu.memref_slice %arg7[%dma_wait3A_476, %dma_wait3A_477] : memref<320x128xf32, #tpu.memory_space<vmem>> -> memref<32x128xf32, #tpu.memory_space<vmem>>
    %dma_wait3A_479 = arith.constant 0 : i32
    %dma_wait3A_480 = tpu.memref_slice %arg5[%add3A_349, %dma_wait3A_479] : memref<8192x128xf32, #tpu.memory_space<hbm>> -> memref<32x128xf32, #tpu.memory_space<hbm>>
    %dma_wait3A_481 = tpu.memref_slice %arg8[%dma_wait3A_475] : memref<17x!tpu.dma_semaphore, #tpu.memory_space<semaphore_mem>> -> memref<1x!tpu.dma_semaphore, #tpu.memory_space<semaphore_mem>>
    %dma_wait3A_482 = tpu.memref_squeeze %dma_wait3A_481 : memref<1x!tpu.dma_semaphore, #tpu.memory_space<semaphore_mem>> -> memref<!tpu.dma_semaphore, #tpu.memory_space<semaphore_mem>>
    %dma_wait3A_483 = arith.constant 0 : i32
    %dma_wait3A_484 = tpu.memref_slice %arg5[%add3A_349, %dma_wait3A_483] : memref<8192x128xf32, #tpu.memory_space<hbm>> -> memref<32x128xf32, #tpu.memory_space<hbm>>
    %dma_wait3A_485 = arith.constant 224 : i32
    %dma_wait3A_486 = arith.constant 0 : i32
    %dma_wait3A_487 = tpu.memref_slice %arg7[%dma_wait3A_485, %dma_wait3A_486] : memref<320x128xf32, #tpu.memory_space<vmem>> -> memref<32x128xf32, #tpu.memory_space<vmem>>
    tpu.wait_dma2 semaphore(%dma_wait3A_482 : memref<!tpu.dma_semaphore, #tpu.memory_space<semaphore_mem>>) src(%dma_wait3A_487 : memref<32x128xf32, #tpu.memory_space<vmem>>) dst(%dma_wait3A_484 : memref<32x128xf32, #tpu.memory_space<hbm>>)
    %dma_wait3A_488 = arith.constant 15 : i32
    %dma_wait3A_489 = arith.constant 256 : i32
    %dma_wait3A_490 = arith.constant 0 : i32
    %dma_wait3A_491 = tpu.memref_slice %arg7[%dma_wait3A_489, %dma_wait3A_490] : memref<320x128xf32, #tpu.memory_space<vmem>> -> memref<32x128xf32, #tpu.memory_space<vmem>>
    %dma_wait3A_492 = arith.constant 0 : i32
    %dma_wait3A_493 = tpu.memref_slice %arg5[%add3A_379, %dma_wait3A_492] : memref<8192x128xf32, #tpu.memory_space<hbm>> -> memref<32x128xf32, #tpu.memory_space<hbm>>
    %dma_wait3A_494 = tpu.memref_slice %arg8[%dma_wait3A_488] : memref<17x!tpu.dma_semaphore, #tpu.memory_space<semaphore_mem>> -> memref<1x!tpu.dma_semaphore, #tpu.memory_space<semaphore_mem>>
    %dma_wait3A_495 = tpu.memref_squeeze %dma_wait3A_494 : memref<1x!tpu.dma_semaphore, #tpu.memory_space<semaphore_mem>> -> memref<!tpu.dma_semaphore, #tpu.memory_space<semaphore_mem>>
    %dma_wait3A_496 = arith.constant 0 : i32
    %dma_wait3A_497 = tpu.memref_slice %arg5[%add3A_379, %dma_wait3A_496] : memref<8192x128xf32, #tpu.memory_space<hbm>> -> memref<32x128xf32, #tpu.memory_space<hbm>>
    %dma_wait3A_498 = arith.constant 256 : i32
    %dma_wait3A_499 = arith.constant 0 : i32
    %dma_wait3A_500 = tpu.memref_slice %arg7[%dma_wait3A_498, %dma_wait3A_499] : memref<320x128xf32, #tpu.memory_space<vmem>> -> memref<32x128xf32, #tpu.memory_space<vmem>>
    tpu.wait_dma2 semaphore(%dma_wait3A_495 : memref<!tpu.dma_semaphore, #tpu.memory_space<semaphore_mem>>) src(%dma_wait3A_500 : memref<32x128xf32, #tpu.memory_space<vmem>>) dst(%dma_wait3A_497 : memref<32x128xf32, #tpu.memory_space<hbm>>)
    %dma_wait3A_501 = arith.constant 16 : i32
    %dma_wait3A_502 = arith.constant 288 : i32
    %dma_wait3A_503 = arith.constant 0 : i32
    %dma_wait3A_504 = tpu.memref_slice %arg7[%dma_wait3A_502, %dma_wait3A_503] : memref<320x128xf32, #tpu.memory_space<vmem>> -> memref<32x128xf32, #tpu.memory_space<vmem>>
    %dma_wait3A_505 = arith.constant 0 : i32
    %dma_wait3A_506 = tpu.memref_slice %arg5[%add3A_396, %dma_wait3A_505] : memref<8192x128xf32, #tpu.memory_space<hbm>> -> memref<32x128xf32, #tpu.memory_space<hbm>>
    %dma_wait3A_507 = tpu.memref_slice %arg8[%dma_wait3A_501] : memref<17x!tpu.dma_semaphore, #tpu.memory_space<semaphore_mem>> -> memref<1x!tpu.dma_semaphore, #tpu.memory_space<semaphore_mem>>
    %dma_wait3A_508 = tpu.memref_squeeze %dma_wait3A_507 : memref<1x!tpu.dma_semaphore, #tpu.memory_space<semaphore_mem>> -> memref<!tpu.dma_semaphore, #tpu.memory_space<semaphore_mem>>
    %dma_wait3A_509 = arith.constant 0 : i32
    %dma_wait3A_510 = tpu.memref_slice %arg5[%add3A_396, %dma_wait3A_509] : memref<8192x128xf32, #tpu.memory_space<hbm>> -> memref<32x128xf32, #tpu.memory_space<hbm>>
    %dma_wait3A_511 = arith.constant 288 : i32
    %dma_wait3A_512 = arith.constant 0 : i32
    %dma_wait3A_513 = tpu.memref_slice %arg7[%dma_wait3A_511, %dma_wait3A_512] : memref<320x128xf32, #tpu.memory_space<vmem>> -> memref<32x128xf32, #tpu.memory_space<vmem>>
    tpu.wait_dma2 semaphore(%dma_wait3A_508 : memref<!tpu.dma_semaphore, #tpu.memory_space<semaphore_mem>>) src(%dma_wait3A_513 : memref<32x128xf32, #tpu.memory_space<vmem>>) dst(%dma_wait3A_510 : memref<32x128xf32, #tpu.memory_space<hbm>>)
    return
  }
}

</mosaic_0001>

<sc_bundles>
// kernel: kernel.3.cloned.1.call-start
scs
__scs_entry_jumppad:
0x0: {  	(pc) =	sbr.rel $0x88, $3  }
0x1: {  	(tag) =	ssettag $0x0;
	lr =	simm.s32 $0x1  }
0x2: {  	[smem:$0x3F9E] =	sst lr;
	_ =	strace $0xD0000000  }
0x3: {  	_ = 	snop  }
0x4: {  	_ = 	snop  }
0x5: {  	_ = 	snop  }
0x6: {  	_ = 	snop  }
0x7: {  	_ = 	snop  }
__scs_overlays_trampoline_lowered:
0x8: {  	[smem:$0x3FAD] =	sst s0  }
0x9: {  	[smem:$0x3FAE] =	sst s1  }
0xa: {  	[smem:$0x3FAF] =	sst s2  }
0xb: {  	[smem:$0x3FB0] =	sst s3  }
0xc: {  	[smem:$0x3FB1] =	sst s4  }
0xd: {  	[smem:$0x3FB2] =	sst s5  }
0xe: {  	[smem:$0x3FB3] =	sst s6  }
0xf: {  	[smem:$0x3FB4] =	sst s7  }
0x10: {  	[smem:$0x3FB5] =	sst s8  }
0x11: {  	[smem:$0x3FB6] =	sst s9;
	s0 =	simm.s32 @!p0 $0x0  }
0x12: {  	s1 =	sld [smem:$0x3F9C];
	s0 =	simm.s32 @p0 $0x1  }
0x13: {  	[smem:$0x3FB7] =	sst s0;
	s0 =	simm.s32 @!p1 $0x0  }
0x14: {  	s2 =	sld [smem:$0x3F9B];
	s0 =	simm.s32 @p1 $0x1  }
0x15: {  	[smem:$0x3FB8] =	sst s0;
	s0 =	simm.s32 @!p2 $0x0  }
0x16: {  	s3 =	sld [smem:$0x3FDB];
	s0 =	simm.s32 @p2 $0x1  }
0x17: {  	s4 =	simm.s32 $0x1BF5;
	[smem:$0x3FBA] =	sst s0  }
0x18: {  	s0 =	sld [smem:$0x3F9D];
	_ =	swait.ge [sflag:s4], $0x0  }
0x19: {  	s7 =	sld [smem:$0x3F9E]  }
0x1a: {  	s8 =	sadd.s32 $0xFFFFE003, lr  }
0x1b: {  	s9 =	sadd.s32 $0xFFFFFEF7, lr;
	s5 =	simm.s32 $0xFFFFFFFF;
	p2 =	slt.u32 s8, $0xFFFFF086  }
0x1c: {  	p1 =	slt.u32 s9, $0xF7A;
	s5 =	simm.s32 @!p2 $0x0  }
0x1d: {  	s5 =	simm.s32 @p1 $0x1;
	p0 =	seq.s32 s7, s2  }
0x1e: {  	s7 =	smul.u32 @!p0 $0xF7A, s2;
	p2 =	seq.s32 @!p0 s5, $0x0  }
0x1f: {  	s9 =	smul.u32 $0xF7A, s1;
	s8 =	simm.s32 @!p0 $0x1BF5;
	p2 =	por !p2, p0  }
0x20: {  	[sflag:s8] =	ssyncset.s32 @!p0 $0xFFFFF086;
	s6 =	sadd.s32 @!p0 s3, s7;
	s7 =	simm.s32 @!p0 $0x108  }
0x21: {  	s3 =	sadd.s32 s3, s9;
	s6 =	sadd.s32 @!p0 $0x88, s6;
	s7 =	simm.s32 @p2 $0x1082  }
0x22: {  	[simem:s7], [sflag:s8] =	dma.local @!p0 [hbm:s6], $0xF7A  }
0x23: {  	s9 =	sor.u32 $0xD0000000, s2;
	s6 =	simm.s32 $0x108;
	_ =	swait.ge @!p0 [sflag:s8], $0x0  }
0x24: {  	s3 =	sadd.s32 $0x88, s3;
	s6 =	simm.s32 @!p1 $0x1082;
	[sflag:s4] =	ssyncset.s32 $0xFFFFF086  }
0x25: {  	[simem:s6], [sflag:s4] =	dma.local [hbm:s3], $0xF7A  }
0x26: {  	[smem:$0x3F9E] =	sst s1;
	(tag) =	ssettag s2;
	_ =	strace s9  }
0x27: {  	s1 =	sld [smem:$0x3FAE]  }
0x28: {  	s2 =	sld [smem:$0x3FAF]  }
0x29: {  	s4 =	sld [smem:$0x3FB1]  }
0x2a: {  	p0 =	seq.s32 s5, $0x0;
	s5 =	sld [smem:$0x3FB2]  }
0x2b: {  	s6 =	sld [smem:$0x3FB3]  }
0x2c: {  	s7 =	sld [smem:$0x3FB4]  }
0x2d: {  	s3 =	simm.s32 $0x108;
	s8 =	sld [smem:$0x3FB5]  }
0x2e: {  	s3 =	simm.s32 @!p0 $0x1082;
	s9 =	sld [smem:$0x3FB6]  }
0x2f: {  	lr =	sadd.s32 s0, s3;
	s0 =	sld [smem:$0x3FAD]  }
0x30: {  	s3 =	sld [smem:$0x3FB0]  }
0x31: {  	[smem:$0x3FB9] =	sst s10  }
0x32: {  	s10 =	sld [smem:$0x3FB7];
	_ =	sdelay $0x3  }
0x33: {  	p0 =	seq.s32 s10, $0x1;
	s10 =	sld [smem:$0x3FB9];
	_ =	sdelay $0x3  }
0x34: {  	[smem:$0x3FB9] =	sst s10  }
0x35: {  	s10 =	sld [smem:$0x3FB8];
	_ =	sdelay $0x3  }
0x36: {  	p1 =	seq.s32 s10, $0x1;
	s10 =	sld [smem:$0x3FB9];
	_ =	sdelay $0x3  }
0x37: {  	[smem:$0x3FB9] =	sst s10  }
0x38: {  	s10 =	sld [smem:$0x3FBA]  }
0x39: {  	_ = 	snop;
	(pc) =	sbr.ind lr, $3  }
0x3a: {  	_ = 	snop  }
0x3b: {  	_ = 	snop  }
0x3c: {  	p2 =	seq.s32 s10, $0x1;
	s10 =	sld [smem:$0x3FB9]  }
0x3d: {  	_ =	shalt  }
0x3e: {  	_ =	shalt  }
0x3f: {  	_ =	shalt  }
0x40: {  	_ =	shalt  }
0x41: {  	_ =	shalt  }
0x42: {  	_ =	shalt  }
0x43: {  	_ =	shalt  }
0x44: {  	_ =	shalt  }
0x45: {  	_ =	shalt  }
0x46: {  	_ =	shalt  }
0x47: {  	_ =	shalt  }
0x48: {  	_ =	shalt  }
0x49: {  	_ =	shalt  }
0x4a: {  	_ =	shalt  }
0x4b: {  	_ =	shalt  }
0x4c: {  	_ =	shalt  }
0x4d: {  	_ =	shalt  }
0x4e: {  	_ =	shalt  }
0x4f: {  	_ =	shalt  }
0x50: {  	_ =	shalt  }
0x51: {  	_ =	shalt  }
0x52: {  	_ =	shalt  }
0x53: {  	_ =	shalt  }
0x54: {  	_ =	shalt  }
0x55: {  	_ =	shalt  }
0x56: {  	_ =	shalt  }
0x57: {  	_ =	shalt  }
0x58: {  	_ =	shalt  }
0x59: {  	_ =	shalt  }
0x5a: {  	_ =	shalt  }
0x5b: {  	_ =	shalt  }
0x5c: {  	_ =	shalt  }
0x5d: {  	_ =	shalt  }
0x5e: {  	_ =	shalt  }
0x5f: {  	_ =	shalt  }
0x60: {  	_ =	shalt  }
0x61: {  	_ =	shalt  }
0x62: {  	_ =	shalt  }
0x63: {  	_ =	shalt  }
0x64: {  	_ =	shalt  }
0x65: {  	_ =	shalt  }
0x66: {  	_ =	shalt  }
0x67: {  	_ =	shalt  }
0x68: {  	_ =	shalt  }
0x69: {  	_ =	shalt  }
0x6a: {  	_ =	shalt  }
0x6b: {  	_ =	shalt  }
0x6c: {  	_ =	shalt  }
0x6d: {  	_ =	shalt  }
0x6e: {  	_ =	shalt  }
0x6f: {  	_ =	shalt  }
0x70: {  	_ =	shalt  }
0x71: {  	_ =	shalt  }
0x72: {  	_ =	shalt  }
0x73: {  	_ =	shalt  }
0x74: {  	_ =	shalt  }
0x75: {  	_ =	shalt  }
0x76: {  	_ =	shalt  }
0x77: {  	_ =	shalt  }
0x78: {  	_ =	shalt  }
0x79: {  	_ =	shalt  }
0x7a: {  	_ =	shalt  }
0x7b: {  	_ =	shalt  }
0x7c: {  	_ =	shalt  }
0x7d: {  	_ =	shalt  }
0x7e: {  	_ =	shalt  }
0x7f: {  	_ =	shalt  }
0x80: {  	_ =	shalt  }
0x81: {  	_ =	shalt  }
0x82: {  	_ =	shalt  }
0x83: {  	_ =	shalt  }
0x84: {  	_ =	shalt  }
0x85: {  	_ =	shalt  }
0x86: {  	_ =	shalt  }
0x87: {  	_ =	shalt  }
.Lfunc_end0:
.L_simem_size_0:
called_computation_lowered:
.L_overlay_start_0:
0x88: {  	s2 =	sld [smem:$0x3FD9]  }
0x89: {  	s3 =	sld [smem:$0x3FFE];
	_ =	sdelay $0x1  }
0x8a: {  	s1 =	srdreg.scid  }
0x8b: {  	s0 =	sand.u32 $0x1, s1  }
0x8c: {  	s18 =	sshll.u32 s0, $0xA;
	s2 =	sadd.s32 s3, s2  }
0x8d: {  	s2 =	sadd.s32 s2, s18  }
0x8e: {  	[smem:$0x3FC5] =	sst s2  }
0x8f: {  	_ = 	snop  }
0x90: {  	s2 =	sld [smem:$0x3FC9]  }
0x91: {  	s19 =	sld [smem:$0x3FC8]  }
0x92: {  	s4 =	sld [smem:$0x3FC7]  }
0x93: {  	s5 =	sld [smem:$0x3FD0];
	(tm) =	ssettm $0x1  }
0x94: {  	s6 =	sld [smem:$0x3FFB];
	_ =	sdelay $0x3  }
0x95: {  	_ =	strace s6  }
0x96: {  	s6 =	sld [smem:$0x3FFC];
	_ =	sdelay $0x3  }
0x97: {  	_ =	strace s6  }
0x98: {  	s6 =	sld [smem:$0x3FFD];
	_ =	sdelay $0x3  }
0x99: {  	_ =	strace s6  }
0x9a: {  	_ =	strace $0x8FFFFFFF  }
0x9b: {  	s20 =	sld [smem:$0x3FDB];
	_ =	sdelay $0x1  }
0x9c: {  	s7 =	simm.s32 $_scs_section_size  }
0x9d: {  	s8 =	simm.s32 $_size__tile_overlayer_lowered;
	s9 =	simm.s32 $_tile_overlayer_lowered  }
0x9e: {  	s23 =	simm.s32 $0x1BFF;
	s22 =	sshll.u32 s9, $0x1;
	s6 =	sadd.s32 s7, s20  }
0x9f: {  	s10 =	simm.s32 $0x0;
	s21 =	sshll.u32 s8, $0x1;
	s8 =	sadd.s32 s22, s6  }
0xa0: {  	[timem:s10], [sflag:s23] =	dma.local [hbm:s8], s21  }
0xa1: {  	_ =	swait.ge [sflag:s23], s21  }
0xa2: {  	s7 =	ssub.s32 $0x0, s21;
	[sflag:s23] =	ssyncset.done $0x0  }
0xa3: {  	[sflag:s23] =	ssyncadd.s32 s7;
	_ =	sdelay $0x1  }
0xa4: {  	s24 =	simm.s32 $0x1B8B  }
0xa5: {  	_ =	swait.ge [sflag:s24], $0x1  }
0xa6: {  	[sflag:s24] =	ssyncset.done $0x0  }
0xa7: {  	s25 =	simm.s32 $0x1B8E;
	[sflag:s24] =	ssyncadd.s32 $0xFFFFFFFF  }
0xa8: {  	s26 =	simm.s32 $execute0_lowered;
	[smem:$0x3FD2] =	sst s25  }
0xa9: {  	s7 =	sshll.u32 s26, $0x1;
	_ =	strace $0x80000046;
	[dreg:$0x1] =	wrdreg $0xFFFFFFFF  }
0xaa: {  	s28 =	simm.s32 $_size_execute0_lowered;
	s6 =	sadd.s32 s6, s7;
	[dreg:$0x0] =	wrdreg $0x0  }
0xab: {  	s7 =	sshll.u32 s28, $0x1;
	[dreg:$0x2] =	wrdreg s6  }
0xac: {  	[dreg:$0x3] =	wrdreg s7  }
0xad: {  	[dreg:$0x4] =	wrdreg $0xC0  }
0xae: {  	_ =	task [dreg:s10], $0x5FFFF  }
0xaf: {  	[dreg:$0x1] =	wrdreg $0xFFFFFFFF  }
0xb0: {  	[dreg:$0x0] =	wrdreg $0x60  }
0xb1: {  	[dreg:$0x2] =	wrdreg s2  }
0xb2: {  	[dreg:$0x3] =	wrdreg s19  }
0xb3: {  	[dreg:$0x4] =	wrdreg s4  }
0xb4: {  	[dreg:$0x5] =	wrdreg s5  }
0xb5: {  	[dreg:$0x6] =	wrdreg $0x9  }
0xb6: {  	_ =	task.clear_ibuf [dreg:s10], $0x7FFFF;
	_ =	strace $0x90000046  }
0xb7: {  	s29 =	simm.s32 $0x9;
	_ =	strace $0x80000048  }
0xb8: {  	_ =	swait.ge [sflag:s29], $0x1  }
0xb9: {  	[sflag:s29] =	ssyncadd.s32 $0xFFFFFFFF  }
0xba: {  	_ =	strace $0x90000048  }
0xbb: {  	_ =	sfence  }
0xbc: {  	s30 =	sld [smem:$0x0];
	_ =	sdelay $0x2  }
0xbd: {  	s31 =	sshll.u32 s1, $0xD;
	s1 =	sshrl.u32 s1, $0x2  }
0xbe: {  	s3 =	sand.u32 $0x4000, s31;
	s1 =	sadd.s32 s1, s30  }
0xbf: {  	s0 =	sor.u32 s3, s0;
	s1 =	sshll.u32 s1, $0x11  }
0xc0: {  	s0 =	sor.u32 s1, s0  }
0xc1: {  	s0 =	sadd.s32 $0x8F2B, s0  }
0xc2: {  	[sflag:s0] =	ssyncadd.remote.s32 $0x1  }
0xc3: {  	_ =	sfence.sel $0xFFFF  }
0xc4: {  	[dreg:$0x0] =	wrdreg $0xFFFFFFFF;
	(pc) =	sbr.abs _section_cstart, $3  }
0xc5: {  	[dreg:$0x1] =	wrdreg $0xFFFFFFFF  }
0xc6: {  	_ =	task.clear_ibuf [dreg:s10], $0x2FFFF;
	_ =	strace $0x9FFFFFFF  }
0xc7: {  	(tm) =	ssettm $0x7FFFFFFF  }
tec
execute0_lowered:
.L_overlay_start_1:
0x0: {  	(tag) =	ssettag $0x1  }
0x1: {  	s0 =	rddreg [dreg:$0x0]  }
0x2: {  	s1 =	rddreg [dreg:$0x1]  }
0x3: {  	s2 =	srdreg.scid;
	s4 =	rddreg [dreg:$0x2]  }
0x4: {  	s3 =	stileid.u32;
	s6 =	rddreg [dreg:$0x3];
	s28 =	simm.s32 $0x5  }
0x5: {  	s29 =	simm.s32 $0x3;
	s30 =	simm.s32 $0x6200;
	s31 =	simm.s32 $0x4  }
0x6: {  	s10 =	simm.s32 $0xC;
	s11 =	simm.s32 $0xD;
	s2 =	sand.u32 $0x1, s2  }
0x7: {  	s12 =	simm.s32 $0xF;
	s3 =	sshll.u32 s3, $0x7;
	s5 =	sshll.u32 s2, $0x6  }
0x8: {  	s13 =	simm.s32 $0x0;
	s2 =	ssub.s32 $0x2, s2;
	s7 =	sor.u32 s5, s3  }
0x9: {  	s3 =	simm.s32 $0x0;
	s17 =	sshrl.u32 s2, $0x1;
	s8 =	sshll.u32 s7, $0x2  }
0xa: {  	[smem:$0x7FF] =	sst s3;
	s2 =	ssub.s32 s2, s17;
	s7 =	sshll.u32 s7, $0x4  }
0xb: {  	s9 =	sand.u32 $0x1E00, s8;
	_ =	strace $0x80000047;
	s20 =	sadd.s32 s4, s7  }
0xc: {  	s17 =	smax.u32 s2, $0x1;
	s2 =	simm.s32 $0x8200;
	s9 =	sor.u32 s5, s9  }
0xd: {  	s4 =	simm.s32 $0x11;
	s5 =	sor.u32 s5, s8;
	s9 =	sshrl.u32 s9, $0x3  }
0xe: {  	[dreg:$0x9] =	wrdreg s20;
	s5 =	sshrl.u32 s5, $0x3;
	s9 =	sadd.s32 s0, s9  }
0xf: {  	s19 =	sor.u32 $0x20, s5;
	[dreg:$0x5] =	wrdreg s9;
	s18 =	sadd.s32 $0x10, s9  }
0x10: {  	s5 =	sor.u32 $0x30, s5;
	s8 =	sadd.s32 s0, s19;
	[dreg:$0x6] =	wrdreg s18  }
0x11: {  	s0 =	sadd.s32 s0, s5;
	s9 =	sadd.s32 s6, s7;
	[dreg:$0x7] =	wrdreg s8  }
0x12: {  	s5 =	simm.s32 $0x8;
	[dreg:$0x8] =	wrdreg s0;
	s21 =	sadd.s32 $0x200, s9  }
0x13: {  	s6 =	simm.s32 $0x9;
	s22 =	sadd.s32 $0x8000, s9;
	[dreg:$0xa] =	wrdreg s21  }
0x14: {  	s7 =	simm.s32 $0xA;
	s23 =	sadd.s32 $0x8200, s9;
	[dreg:$0xb] =	wrdreg s22  }
0x15: {  	s19 =	simm.s32 $0x10;
	s24 =	sadd.s32 $0x10000, s9;
	[dreg:$0xc] =	wrdreg s23  }
0x16: {  	s25 =	sadd.s32 $0x10200, s9;
	s26 =	sadd.s32 $0x18000, s9;
	[dreg:$0xd] =	wrdreg s24  }
0x17: {  	s16 =	sadd.s32 $0x18200, s9;
	s0 =	simm.s32 $0x6;
	[dreg:$0xe] =	wrdreg s25  }
0x18: {  	s8 =	simm.s32 $0xB;
	s18 =	simm.s32 $0xE;
	[dreg:$0xf] =	wrdreg s26  }
0x19: {  	s22 =	simm.s32 $0x1;
	s23 =	simm.s32 $0x40;
	s24 =	simm.s32 $0x2200  }
0x1a: {  	s25 =	simm.s32 $0x2;
	s26 =	simm.s32 $0x4200;
	s21 =	simm.s32 $0x7  }
.LBB2_1:
0x1b: {  	s14 =	rddreg [dreg:$0x5]  }
0x1c: {  	[tilespmem:s3], [sflag:$0x1] =	stream.linear.gather [hbm4b:s14+s3], $0x40, $0x38;
	[tilespmem:$0xA200] =	vst v63  }
0x1d: {  	s20 =	rddreg [dreg:$0x6];
	s15 =	simm.s32 $0x80  }
0x1e: {  	[tilespmem:s15], [sflag:$0x2] =	stream.linear.gather [hbm4b:s20+s3], $0x40, $0x38;
	[tilespmem:$0xA200] =	vst v63  }
0x1f: {  	s14 =	rddreg [dreg:$0x7];
	s20 =	simm.s32 $0x100  }
0x20: {  	[tilespmem:s20], [sflag:$0x3] =	stream.linear.gather [hbm4b:s14+s3], $0x40, $0x38;
	[tilespmem:$0xA200] =	vst v63  }
0x21: {  	s14 =	rddreg [dreg:$0x8];
	s20 =	simm.s32 $0x180  }
0x22: {  	[tilespmem:s20], [sflag:$0x4] =	stream.linear.gather [hbm4b:s14+s3], $0x40, $0x38;
	[tilespmem:$0xA200] =	vst v63  }
0x23: {  	s14 =	rddreg [dreg:$0x9];
	s20 =	simm.s32 $0x200  }
0x24: {  	[tilespmem:s20], [sflag:$0x5] =	stream.linear.gather [hbm4b:s14+s3], $0x2000, $0x38;
	[tilespmem:$0xA200] =	vst v63  }
0x25: {  	_ =	swait.ge [sflag:s22], $0x40  }
0x26: {  	[sflag:s22] =	ssyncset.done $0x0  }
0x27: {  	[sflag:s22] =	ssyncadd.s32 $0xFFFFFFC0  }
0x28: {  	[tilespmem:s24], [sflag:$0x6] =	stream.indirect.gather [hbm4b:s1+s23], $0x80, s3, s23, $0xb8;
	[tilespmem:$0xA200] =	vst v63  }
0x29: {  	_ =	swait.ge [sflag:s25], $0x40  }
0x2a: {  	[sflag:s25] =	ssyncset.done $0x0  }
0x2b: {  	[sflag:s25] =	ssyncadd.s32 $0xFFFFFFC0  }
0x2c: {  	[tilespmem:s26], [sflag:$0x7] =	stream.indirect.gather [hbm4b:s1+s23], $0x80, s15, s23, $0xb8;
	[tilespmem:$0xA200] =	vst v63  }
0x2d: {  	_ =	swait.ge [sflag:s28], $0x2000  }
0x2e: {  	[sflag:s28] =	ssyncset.done $0x0  }
0x2f: {  	s14 =	simm.s32 $0x0;
	[sflag:s28] =	ssyncadd.s32 $0xFFFFE000  }
0x30: {  	v3 =	vld [tilespmem:s14+$0x270]  }
0x31: {  	v4 =	vld [tilespmem:s14+$0x200]  }
0x32: {  	v5 =	vld [tilespmem:s14+$0x210]  }
0x33: {  	v2 =	vld [tilespmem:s14+$0x220]  }
0x34: {  	v0 =	vld [tilespmem:s14+$0x230]  }
0x35: {  	v1 =	vld [tilespmem:s14+$0x240];
	[tilespmem:s14+$0x6270] =	vst v3  }
0x36: {  	[tilespmem:s14+$0x6200] =	vst v4;
	v3 =	vld [tilespmem:s14+$0x250]  }
0x37: {  	s20 =	simm.s32 $0x80;
	s15 =	simm.s32 $0x400;
	[tilespmem:s14+$0x6210] =	vst v5;
	v4 =	vld [tilespmem:s14+$0x260]  }
.LBB2_2:
0x38: {  	p0 =	sne.s32 s15, $0x7E00;
	v5 =	vld [tilespmem:s20+$0x270];
	[tilespmem:s14+$0x6220] =	vst v2  }
0x39: {  	v6 =	vld [tilespmem:s20+$0x200];
	[tilespmem:s14+$0x6230] =	vst v0  }
0x3a: {  	v7 =	vld [tilespmem:s20+$0x210];
	[tilespmem:s14+$0x6240] =	vst v1  }
.Ltmp0:
0x3b: {  	v2 =	vld [tilespmem:s20+$0x220];
	[tilespmem:s14+$0x6250] =	vst v3;
	(pc) =	sbr.rel @p0 .LBB2_2-.Ltmp0, $4  }
0x3c: {  	v0 =	vld [tilespmem:s20+$0x230];
	[tilespmem:s14+$0x6260] =	vst v4;
	s14 =	smov.u32 s20  }
0x3d: {  	v1 =	vld [tilespmem:s14+$0x240];
	[tilespmem:s14+$0x6270] =	vst v5  }
0x3e: {  	[tilespmem:s14+$0x6200] =	vst v6;
	v3 =	vld [tilespmem:s14+$0x250]  }
0x3f: {  	s20 =	sshra.s32 s15, $0x2;
	s15 =	sadd.s32 $0x200, s15;
	[tilespmem:s14+$0x6210] =	vst v7;
	v4 =	vld [tilespmem:s14+$0x260]  }
0x40: {  	v5 =	vld [tilespmem:s20+$0x270];
	[tilespmem:s14+$0x6220] =	vst v2  }
0x41: {  	v2 =	vld [tilespmem:s20+$0x200];
	[tilespmem:s14+$0x6230] =	vst v0  }
0x42: {  	v0 =	vld [tilespmem:s20+$0x210];
	[tilespmem:s14+$0x6240] =	vst v1  }
0x43: {  	v1 =	vld [tilespmem:s20+$0x220];
	[tilespmem:s14+$0x6250] =	vst v3  }
0x44: {  	v3 =	vld [tilespmem:s20+$0x230];
	[tilespmem:s14+$0x6260] =	vst v4  }
0x45: {  	v4 =	vld [tilespmem:s20+$0x240];
	[tilespmem:s20+$0x6270] =	vst v5  }
0x46: {  	[tilespmem:s20+$0x6200] =	vst v2;
	v2 =	vld [tilespmem:s20+$0x250]  }
0x47: {  	[tilespmem:s20+$0x6210] =	vst v0;
	v0 =	vld [tilespmem:s20+$0x260]  }
0x48: {  	[tilespmem:s20+$0x6220] =	vst v1  }
0x49: {  	[tilespmem:s20+$0x6230] =	vst v3  }
0x4a: {  	[tilespmem:s20+$0x6240] =	vst v4  }
0x4b: {  	[tilespmem:s20+$0x6250] =	vst v2  }
0x4c: {  	[tilespmem:s20+$0x6260] =	vst v0  }
0x4d: {  	_ =	swait.ge [sflag:s29], $0x40  }
0x4e: {  	[sflag:s29] =	ssyncset.done $0x0  }
0x4f: {  	s14 =	simm.s32 $0x0;
	s20 =	simm.s32 $0x100;
	[sflag:s29] =	ssyncadd.s32 $0xFFFFFFC0  }
0x50: {  	[tilespmem:s30], [sflag:$0x8] =	stream.indirect.gather.add.f32 [hbm:s1], $0x80, s20, s23, $0xb8;
	[tilespmem:$0xA200] =	vst v63  }
0x51: {  	v3 =	vld [tilespmem:s14+$0x270]  }
0x52: {  	v4 =	vld [tilespmem:s14+$0x200]  }
0x53: {  	v5 =	vld [tilespmem:s14+$0x210]  }
0x54: {  	v2 =	vld [tilespmem:s14+$0x220]  }
0x55: {  	v0 =	vld [tilespmem:s14+$0x230]  }
0x56: {  	v1 =	vld [tilespmem:s14+$0x240];
	[tilespmem:s14+$0x8270] =	vst v3  }
0x57: {  	[tilespmem:s14+$0x8200] =	vst v4;
	v3 =	vld [tilespmem:s14+$0x250]  }
0x58: {  	s15 =	simm.s32 $0x400;
	s20 =	simm.s32 $0x80;
	[tilespmem:s14+$0x8210] =	vst v5;
	v4 =	vld [tilespmem:s14+$0x260]  }
.LBB2_4:
0x59: {  	p0 =	sne.s32 s15, $0x7E00;
	v5 =	vld [tilespmem:s20+$0x270];
	[tilespmem:s14+$0x8220] =	vst v2  }
0x5a: {  	v6 =	vld [tilespmem:s20+$0x200];
	[tilespmem:s14+$0x8230] =	vst v0  }
0x5b: {  	v7 =	vld [tilespmem:s20+$0x210];
	[tilespmem:s14+$0x8240] =	vst v1  }
.Ltmp1:
0x5c: {  	v2 =	vld [tilespmem:s20+$0x220];
	[tilespmem:s14+$0x8250] =	vst v3;
	(pc) =	sbr.rel @p0 .LBB2_4-.Ltmp1, $4  }
0x5d: {  	v0 =	vld [tilespmem:s20+$0x230];
	[tilespmem:s14+$0x8260] =	vst v4;
	s14 =	smov.u32 s20  }
0x5e: {  	v1 =	vld [tilespmem:s14+$0x240];
	[tilespmem:s14+$0x8270] =	vst v5  }
0x5f: {  	[tilespmem:s14+$0x8200] =	vst v6;
	v3 =	vld [tilespmem:s14+$0x250]  }
0x60: {  	s20 =	sshra.s32 s15, $0x2;
	s15 =	sadd.s32 $0x200, s15;
	[tilespmem:s14+$0x8210] =	vst v7;
	v4 =	vld [tilespmem:s14+$0x260]  }
0x61: {  	v5 =	vld [tilespmem:s20+$0x270];
	[tilespmem:s14+$0x8220] =	vst v2  }
0x62: {  	v2 =	vld [tilespmem:s20+$0x200];
	[tilespmem:s14+$0x8230] =	vst v0  }
0x63: {  	v0 =	vld [tilespmem:s20+$0x210];
	[tilespmem:s14+$0x8240] =	vst v1  }
0x64: {  	v1 =	vld [tilespmem:s20+$0x220];
	[tilespmem:s14+$0x8250] =	vst v3  }
0x65: {  	v3 =	vld [tilespmem:s20+$0x230];
	[tilespmem:s14+$0x8260] =	vst v4  }
0x66: {  	v4 =	vld [tilespmem:s20+$0x240];
	[tilespmem:s20+$0x8270] =	vst v5  }
0x67: {  	[tilespmem:s20+$0x8200] =	vst v2;
	v2 =	vld [tilespmem:s20+$0x250]  }
0x68: {  	[tilespmem:s20+$0x8210] =	vst v0;
	v0 =	vld [tilespmem:s20+$0x260]  }
0x69: {  	[tilespmem:s20+$0x8220] =	vst v1  }
0x6a: {  	[tilespmem:s20+$0x8230] =	vst v3  }
0x6b: {  	[tilespmem:s20+$0x8240] =	vst v4  }
0x6c: {  	[tilespmem:s20+$0x8250] =	vst v2  }
0x6d: {  	[tilespmem:s20+$0x8260] =	vst v0  }
0x6e: {  	_ =	swait.ge [sflag:s31], $0x40  }
0x6f: {  	[sflag:s31] =	ssyncset.done $0x0  }
0x70: {  	s20 =	simm.s32 $0x180;
	[sflag:s31] =	ssyncadd.s32 $0xFFFFFFC0  }
0x71: {  	[tilespmem:s2], [sflag:$0x9] =	stream.indirect.gather.add.f32 [hbm:s1], $0x80, s20, s23, $0xb8;
	[tilespmem:$0xA200] =	vst v63  }
0x72: {  	_ =	swait.ge [sflag:s0], $0x2000  }
0x73: {  	[sflag:s0] =	ssyncset.done $0x0  }
0x74: {  	s20 =	simm.s32 $0x40;
	[sflag:s0] =	ssyncadd.s32 $0xFFFFE000  }
0x75: {  	v7 =	vld [tilespmem:s20+$0x1C0]  }
0x76: {  	v11 =	vld [tilespmem:s20+$0x1D0]  }
0x77: {  	v5 =	vld [tilespmem:s20+$0x1E0]  }
0x78: {  	v4 =	vld [tilespmem:s20+$0x1F0]  }
0x79: {  	v3 =	vld [tilespmem:s20+$0x200]  }
0x7a: {  	v2 =	vld [tilespmem:s20+$0x210]  }
0x7b: {  	v1 =	vld [tilespmem:s20+$0x220]  }
0x7c: {  	v0 =	vld [tilespmem:s20+$0x230]  }
0x7d: {  	v12 =	vld [tilespmem:s20+$0x21C0]  }
0x7e: {  	v13 =	vld [tilespmem:s20+$0x21D0]  }
0x7f: {  	v10 =	vld [tilespmem:s20+$0x21E0]  }
0x80: {  	v9 =	vld [tilespmem:s20+$0x21F0]  }
0x81: {  	v8 =	vld [tilespmem:s20+$0x2200]  }
0x82: {  	v6 =	vld [tilespmem:s20+$0x2210];
	v12 =	vadd.f32 v7, v12  }
0x83: {  	s14 =	simm.s32 $0x300;
	v11 =	vadd.f32 v11, v13;
	v7 =	vld [tilespmem:s20+$0x2220]  }
.LBB2_6:
0x84: {  	s15 =	sshra.s32 s14, $0x2;
	p0 =	sne.s32 s14, $0x7F00;
	[tilespmem:s20+$0x21C0] =	vst v12;
	v5 =	vadd.f32 v5, v10;
	v10 =	vld [tilespmem:s20+$0x2230]  }
0x85: {  	v12 =	vld [tilespmem:s15+$0x1C0];
	[tilespmem:s20+$0x21D0] =	vst v11;
	v4 =	vadd.f32 v4, v9  }
0x86: {  	v11 =	vld [tilespmem:s15+$0x1D0];
	[tilespmem:s20+$0x21E0] =	vst v5;
	v3 =	vadd.f32 v3, v8  }
0x87: {  	v5 =	vld [tilespmem:s15+$0x1E0];
	[tilespmem:s20+$0x21F0] =	vst v4;
	v2 =	vadd.f32 v2, v6  }
0x88: {  	v4 =	vld [tilespmem:s15+$0x1F0];
	[tilespmem:s20+$0x2200] =	vst v3;
	v1 =	vadd.f32 v1, v7  }
0x89: {  	v3 =	vld [tilespmem:s15+$0x200];
	[tilespmem:s20+$0x2210] =	vst v2;
	v0 =	vadd.f32 v0, v10  }
0x8a: {  	v2 =	vld [tilespmem:s15+$0x210];
	[tilespmem:s20+$0x2220] =	vst v1  }
0x8b: {  	v1 =	vld [tilespmem:s15+$0x220];
	[tilespmem:s20+$0x2230] =	vst v0;
	s20 =	smov.u32 s15  }
0x8c: {  	v0 =	vld [tilespmem:s20+$0x230]  }
0x8d: {  	v6 =	vld [tilespmem:s20+$0x21C0]  }
0x8e: {  	v7 =	vld [tilespmem:s20+$0x21D0]  }
.Ltmp2:
0x8f: {  	v10 =	vld [tilespmem:s20+$0x21E0];
	(pc) =	sbr.rel @p0 .LBB2_6-.Ltmp2, $4  }
0x90: {  	v9 =	vld [tilespmem:s20+$0x21F0]  }
0x91: {  	v8 =	vld [tilespmem:s20+$0x2200]  }
0x92: {  	v12 =	vadd.f32 v12, v6;
	v6 =	vld [tilespmem:s20+$0x2210]  }
0x93: {  	s14 =	sadd.s32 $0x200, s14;
	v11 =	vadd.f32 v11, v7;
	v7 =	vld [tilespmem:s20+$0x2220]  }
0x94: {  	[tilespmem:s20+$0x21C0] =	vst v12;
	v5 =	vadd.f32 v5, v10;
	v10 =	vld [tilespmem:s20+$0x2230]  }
0x95: {  	[tilespmem:s20+$0x21D0] =	vst v11;
	v4 =	vadd.f32 v4, v9  }
0x96: {  	[tilespmem:s20+$0x21E0] =	vst v5;
	v3 =	vadd.f32 v3, v8  }
0x97: {  	[tilespmem:s20+$0x21F0] =	vst v4;
	v2 =	vadd.f32 v2, v6  }
0x98: {  	[tilespmem:s20+$0x2200] =	vst v3;
	v1 =	vadd.f32 v1, v7  }
0x99: {  	[tilespmem:s20+$0x2210] =	vst v2;
	v0 =	vadd.f32 v0, v10  }
0x9a: {  	[tilespmem:s20+$0x2220] =	vst v1  }
0x9b: {  	s14 =	simm.s32 $0x0;
	[tilespmem:s20+$0x2230] =	vst v0  }
0x9c: {  	[hbm4b:s9+s14] =	stream.linear.scatter [tilespmem:s24], [sflag:$0xA], $0x1000, $0x38;
	[tilespmem:$0xA200] =	vst v63  }
0x9d: {  	s15 =	rddreg [dreg:$0xa];
	s20 =	simm.s32 $0x3200  }
0x9e: {  	[hbm4b:s15+s14] =	stream.linear.scatter [tilespmem:s20], [sflag:$0xB], $0x1000, $0x38;
	[tilespmem:$0xA200] =	vst v63  }
0x9f: {  	_ =	swait.ge [sflag:s21], $0x2000  }
0xa0: {  	[sflag:s21] =	ssyncset.done $0x0  }
0xa1: {  	s20 =	simm.s32 $0x0;
	[sflag:s21] =	ssyncadd.s32 $0xFFFFE000  }
0xa2: {  	v7 =	vld [tilespmem:s20+$0x200]  }
0xa3: {  	v11 =	vld [tilespmem:s20+$0x210]  }
0xa4: {  	v5 =	vld [tilespmem:s20+$0x220]  }
0xa5: {  	v4 =	vld [tilespmem:s20+$0x230]  }
0xa6: {  	v3 =	vld [tilespmem:s20+$0x240]  }
0xa7: {  	v2 =	vld [tilespmem:s20+$0x250]  }
0xa8: {  	v1 =	vld [tilespmem:s20+$0x260]  }
0xa9: {  	v0 =	vld [tilespmem:s20+$0x270]  }
0xaa: {  	v12 =	vld [tilespmem:s20+$0x4200]  }
0xab: {  	v13 =	vld [tilespmem:s20+$0x4210]  }
0xac: {  	v10 =	vld [tilespmem:s20+$0x4220]  }
0xad: {  	v9 =	vld [tilespmem:s20+$0x4230]  }
0xae: {  	v8 =	vld [tilespmem:s20+$0x4240]  }
0xaf: {  	v6 =	vld [tilespmem:s20+$0x4250];
	v12 =	vadd.f32 v7, v12  }
0xb0: {  	s14 =	simm.s32 $0x200;
	v11 =	vadd.f32 v11, v13;
	v7 =	vld [tilespmem:s20+$0x4260]  }
.LBB2_8:
0xb1: {  	s15 =	sshra.s32 s14, $0x2;
	p0 =	sne.s32 s14, $0x7E00;
	[tilespmem:s20+$0x4200] =	vst v12;
	v5 =	vadd.f32 v5, v10;
	v10 =	vld [tilespmem:s20+$0x4270]  }
0xb2: {  	v12 =	vld [tilespmem:s15+$0x200];
	[tilespmem:s20+$0x4210] =	vst v11;
	v4 =	vadd.f32 v4, v9  }
0xb3: {  	v11 =	vld [tilespmem:s15+$0x210];
	[tilespmem:s20+$0x4220] =	vst v5;
	v3 =	vadd.f32 v3, v8  }
0xb4: {  	v5 =	vld [tilespmem:s15+$0x220];
	[tilespmem:s20+$0x4230] =	vst v4;
	v2 =	vadd.f32 v2, v6  }
0xb5: {  	v4 =	vld [tilespmem:s15+$0x230];
	[tilespmem:s20+$0x4240] =	vst v3;
	v1 =	vadd.f32 v1, v7  }
0xb6: {  	v3 =	vld [tilespmem:s15+$0x240];
	[tilespmem:s20+$0x4250] =	vst v2;
	v0 =	vadd.f32 v0, v10  }
0xb7: {  	v2 =	vld [tilespmem:s15+$0x250];
	[tilespmem:s20+$0x4260] =	vst v1  }
0xb8: {  	v1 =	vld [tilespmem:s15+$0x260];
	[tilespmem:s20+$0x4270] =	vst v0;
	s20 =	smov.u32 s15  }
0xb9: {  	v0 =	vld [tilespmem:s20+$0x270]  }
0xba: {  	v6 =	vld [tilespmem:s20+$0x4200]  }
0xbb: {  	v7 =	vld [tilespmem:s20+$0x4210]  }
.Ltmp3:
0xbc: {  	v10 =	vld [tilespmem:s20+$0x4220];
	(pc) =	sbr.rel @p0 .LBB2_8-.Ltmp3, $4  }
0xbd: {  	v9 =	vld [tilespmem:s20+$0x4230]  }
0xbe: {  	v8 =	vld [tilespmem:s20+$0x4240]  }
0xbf: {  	v12 =	vadd.f32 v12, v6;
	v6 =	vld [tilespmem:s20+$0x4250]  }
0xc0: {  	s14 =	sadd.s32 $0x200, s14;
	v11 =	vadd.f32 v11, v7;
	v7 =	vld [tilespmem:s20+$0x4260]  }
0xc1: {  	[tilespmem:s20+$0x4200] =	vst v12;
	v5 =	vadd.f32 v5, v10;
	v63 =	vld [tilespmem:s20+$0x4270]  }
0xc2: {  	[tilespmem:s20+$0x4210] =	vst v11;
	v4 =	vadd.f32 v4, v9  }
0xc3: {  	[tilespmem:s20+$0x4220] =	vst v5;
	v3 =	vadd.f32 v3, v8  }
0xc4: {  	[tilespmem:s20+$0x4230] =	vst v4;
	v2 =	vadd.f32 v2, v6  }
0xc5: {  	[tilespmem:s20+$0x4240] =	vst v3;
	v1 =	vadd.f32 v1, v7  }
0xc6: {  	[tilespmem:s20+$0x4250] =	vst v2;
	v0 =	vadd.f32 v0, v63  }
0xc7: {  	[tilespmem:s20+$0x4260] =	vst v1  }
0xc8: {  	s14 =	rddreg [dreg:$0xb];
	[tilespmem:s20+$0x4270] =	vst v0  }
0xc9: {  	[hbm4b:s14+s3] =	stream.linear.scatter [tilespmem:s26], [sflag:$0xC], $0x1000, $0x38;
	[tilespmem:$0xA200] =	vst v63  }
0xca: {  	s15 =	simm.s32 $0x5200;
	s20 =	rddreg [dreg:$0xc]  }
0xcb: {  	[hbm4b:s20+s3] =	stream.linear.scatter [tilespmem:s15], [sflag:$0xD], $0x1000, $0x38;
	[tilespmem:$0xA200] =	vst v63  }
0xcc: {  	_ =	swait.ge [sflag:s5], $0x2000  }
0xcd: {  	[sflag:s5] =	ssyncset.done $0x0  }
0xce: {  	s20 =	rddreg [dreg:$0xd];
	[sflag:s5] =	ssyncadd.s32 $0xFFFFE000  }
0xcf: {  	[hbm4b:s20+s3] =	stream.linear.scatter [tilespmem:s30], [sflag:$0xE], $0x1000, $0x38;
	[tilespmem:$0xA200] =	vst v63  }
0xd0: {  	s15 =	rddreg [dreg:$0xe];
	s20 =	simm.s32 $0x7200  }
0xd1: {  	[hbm4b:s15+s3] =	stream.linear.scatter [tilespmem:s20], [sflag:$0xF], $0x1000, $0x38;
	[tilespmem:$0xA200] =	vst v63  }
0xd2: {  	_ =	swait.ge [sflag:s6], $0x2000  }
0xd3: {  	[sflag:s6] =	ssyncset.done $0x0  }
0xd4: {  	s15 =	rddreg [dreg:$0xf];
	[sflag:s6] =	ssyncadd.s32 $0xFFFFE000  }
0xd5: {  	[hbm4b:s15+s3] =	stream.linear.scatter [tilespmem:s2], [sflag:$0x10], $0x1000, $0x38;
	[tilespmem:$0xA200] =	vst v63  }
0xd6: {  	s20 =	simm.s32 $0x9200  }
0xd7: {  	[hbm4b:s16+s3] =	stream.linear.scatter [tilespmem:s20], [sflag:$0x11], $0x1000, $0x38;
	[tilespmem:$0xA200] =	vst v63  }
0xd8: {  	_ =	swait.ge [sflag:s7], $0x1000  }
0xd9: {  	[sflag:s7] =	ssyncset.done $0x0  }
0xda: {  	[sflag:s7] =	ssyncadd.s32 $0xFFFFF000  }
0xdb: {  	_ =	swait.ge [sflag:s8], $0x1000  }
0xdc: {  	[sflag:s8] =	ssyncset.done $0x0  }
0xdd: {  	[sflag:s8] =	ssyncadd.s32 $0xFFFFF000  }
0xde: {  	_ =	swait.ge [sflag:s10], $0x1000  }
0xdf: {  	[sflag:s10] =	ssyncset.done $0x0  }
0xe0: {  	[sflag:s10] =	ssyncadd.s32 $0xFFFFF000  }
0xe1: {  	_ =	swait.ge [sflag:s11], $0x1000  }
0xe2: {  	[sflag:s11] =	ssyncset.done $0x0  }
0xe3: {  	[sflag:s11] =	ssyncadd.s32 $0xFFFFF000  }
0xe4: {  	_ =	swait.ge [sflag:s18], $0x1000  }
0xe5: {  	[sflag:s18] =	ssyncset.done $0x0  }
0xe6: {  	[sflag:s18] =	ssyncadd.s32 $0xFFFFF000  }
0xe7: {  	_ =	swait.ge [sflag:s12], $0x1000  }
0xe8: {  	[sflag:s12] =	ssyncset.done $0x0  }
0xe9: {  	s13 =	sadd.s32 $0x1, s13;
	[sflag:s12] =	ssyncadd.s32 $0xFFFFF000  }
0xea: {  	p0 =	sne.s32 s13, s17;
	_ =	swait.ge [sflag:s19], $0x1000  }
.Ltmp4:
0xeb: {  	[sflag:s19] =	ssyncset.done $0x0;
	(pc) =	sbr.rel @p0 .LBB2_1-.Ltmp4, $4  }
0xec: {  	[sflag:s19] =	ssyncadd.s32 $0xFFFFF000  }
0xed: {  	_ =	swait.ge [sflag:s4], $0x1000  }
0xee: {  	[sflag:s4] =	ssyncset.done $0x0  }
0xef: {  	[sflag:s4] =	ssyncadd.s32 $0xFFFFF000  }
0xf0: {  	_ =	sfence.sel $0x180000  }
0xf1: {  	[bflag:$0x0] =	sbarrier.arrive $0xFFFF  }
0xf2: {  	_ =	strace $0x90000047  }
0xf3: {  	s0 =	stileid.u32;
	[bflag:$0x2] =	sbarrier.arrive $0xFFFF  }
0xf4: {  	p0 =	sne.s32 s0, $0x0;
	s0 =	rddreg [dreg:$0x4]  }
0xf5: {  	s0 =	sadd.s32 @!p0 $0x100000, s0  }
0xf6: {  	[sflag:s0] =	ssyncadd.tile.s32 @!p0 $0x1;
	_ =	shalt  }
.Lfunc_end2:
_tile_overlayer_lowered:
.L_overlay_start_2:
0xf7: {  	(tag) =	ssettag $0x2  }
0xf8: {  	s0 =	rddreg [dreg:$0x0];
	s2 =	stileid.u32  }
0xf9: {  	s1 =	rddreg [dreg:$0x1];
	p0 =	sne.s32 s2, $0x0  }
0xfa: {  	s3 =	rddreg [dreg:$0x2];
	[bflag:$0x3] =	sbarrier.arrive $0xFFFF;
	s2 =	simm.s32 @!p0 $0x1C12  }
0xfb: {  	[timem:s3], [sflag:s2] =	dma.local @!p0 [hbm:s0], s1  }
0xfc: {  	s0 =	simm.s32 @!p0 $0x12  }
0xfd: {  	_ =	swait.ge @!p0 [sflag:s0], s1  }
0xfe: {  	s1 =	ssub.s32 @!p0 $0x0, s1;
	[sflag:s0] =	ssyncset.done @!p0 $0x0  }
0xff: {  	[sflag:s0] =	ssyncadd.s32 @!p0 s1  }
0x100: {  	[bflag:$0x3] =	sbarrier.arrive $0xFFFF  }
0x101: {  	_ =	shalt  }

</sc_bundles>
